<compile_context>
chip_gen: v7x
topology: tpu7x:2x2x1
jax: 0.10.2.dev20260603
libtpu: 0.0.44.dev20260713+nightly
codegen_flags: <defaults>
</compile_context>

<pallas_src>
import functools

import jax
import jax.numpy as jnp
from jax import lax
from jax.experimental import pallas as pl
from jax.experimental.pallas import tpu as pltpu
from jax.experimental.pallas import tpu_sc as plsc

N_KEYS = 26
BATCH = 4096
MAX_LEN = 200
NBAGS = N_KEYS * BATCH
NW = 32
BAGS_PER_W = NBAGS // NW
WIN = 128
WINS_PER_W = BAGS_PER_W // WIN
ROW_PAD = 256
PW_SZ = N_KEYS * ROW_PAD
RING = 32768
FLUSH = 2048
TAIL_SZS = (1024, 512, 256, 128, 64, 32, 16)
NCHUNK = NBAGS // 64
CPW = BAGS_PER_W // 64
PIECE = CPW * 16


def _body(lenp_hbm, pw_hbm, out_hbm, len_v, pw_v, ring_v,
          len128, off128, row128, s_len, s_off, s_row, cnt_v, lb_v, wbuf,
          sem, psem, *, nblocks, tot):
    c = lax.axis_index("c")
    s = lax.axis_index("s")
    wid = c * 16 + s

    own_w = pl.multiple_of(wid * PIECE, 16)
    pltpu.sync_copy(lenp_hbm.at[pl.ds(own_w, PIECE)],
                    len_v.at[pl.ds(own_w, PIECE)])
    pltpu.sync_copy(pw_hbm, pw_v)

    front = wid <= NW // 2
    p_lo = jnp.where(front, 0, wid + 1)
    p_hi = jnp.where(front, wid, NW)

    def _fire(i, _):
        off = pl.multiple_of(i * PIECE, 16)
        pltpu.make_async_copy(lenp_hbm.at[pl.ds(off, PIECE)],
                              len_v.at[pl.ds(off, PIECE)], psem).start()
        return 0

    def _drain(i, _):
        off = pl.multiple_of(i * PIECE, 16)
        pltpu.make_async_copy(lenp_hbm.at[pl.ds(off, PIECE)],
                              len_v.at[pl.ds(off, PIECE)], psem).wait()
        return 0

    lax.fori_loop(p_lo, p_hi, _fire, 0)
    lax.fori_loop(p_lo, p_hi, _drain, 0)

    lane = lax.iota(jnp.int32, 16)
    ones16 = jnp.full((16,), 1, jnp.int32)

    def load16(q):
        v = len_v[pl.ds(pl.multiple_of((q >> 6) << 4, 16), 16)]
        return (v >> (((q >> 4) & 3) * 8)) & 0xFF

    def range_sum(clo, chi):
        @plsc.parallel_loop(clo, chi, step=1, unroll=4,
                            carry=jnp.zeros((16,), jnp.int32))
        def _sum_body(i, acc):
            v = len_v[pl.ds(i * 16, 16)]
            return (acc + (v & 0xFF) + ((v >> 8) & 0xFF)
                    + ((v >> 16) & 0xFF) + ((v >> 24) & 0xFF))

        return jnp.sum(_sum_body)

    c0 = wid * CPW
    my_sum = range_sum(c0, c0 + CPW)
    s1 = range_sum(jnp.where(front, 0, c0 + CPW),
                   jnp.where(front, c0, NCHUNK))
    my_start = jnp.where(front, s1, tot - my_sum - s1)
    my_end = my_start + my_sum

    blk0 = my_start >> 4
    base_tok = blk0 << 4
    h = my_start - base_tok
    blk_next = jnp.where(wid == NW - 1, nblocks, my_end >> 4)
    t_end = (blk_next << 4) - base_tok

    def _pre_cond(st):
        bend, dcov = st
        return (dcov < h) & (bend >= 16)

    def _pre_body(st):
        bend, dcov = st
        q = bend - 16
        src = pl.multiple_of((q >> 6) << 4, 16)
        pltpu.sync_copy(lenp_hbm.at[pl.ds(src, 16)], wbuf)
        wvec = (wbuf[...] >> (((q >> 4) & 3) * 8)) & 0xFF
        incl = plsc.cumsum(wvec)
        winsum = jnp.max(incl)
        sfx = winsum - incl
        roww = ((q + lane) >> 12) << 8
        d = h - lane

        def _wb_body(wb, _):
            sfx_wb = jnp.sum(jnp.where(lane == wb, sfx, 0)) + dcov
            l_wb = jnp.sum(jnp.where(lane == wb, wvec, 0))
            row_wb = jnp.sum(jnp.where(lane == wb, roww, 0))
            msk = (d > sfx_wb) & (d <= sfx_wb + l_wb) & (lane < h)
            pos = jnp.clip(l_wb - (d - sfx_wb), 0, MAX_LEN)
            vals = plsc.load_gather(pw_v, [row_wb + pos])
            plsc.store_scatter(ring_v, [lane], vals, mask=msk)
            return 0

        lax.fori_loop(0, 16, _wb_body, 0)
        return (bend - 16, dcov + winsum)

    lax.while_loop(_pre_cond, _pre_body, (wid * BAGS_PER_W, jnp.int32(0)))

    def _flush_step(safe, flushed, pend):
        cond = (flushed + FLUSH <= safe) & (flushed + FLUSH <= t_end)

        @pl.when(cond & (pend > 0))
        def _():
            prev = flushed - FLUSH
            psrc = pl.multiple_of(prev & (RING - 1), FLUSH)
            pdst = pl.multiple_of(base_tok + prev, 16)
            pltpu.make_async_copy(ring_v.at[pl.ds(psrc, FLUSH)],
                                  out_hbm.at[pl.ds(pdst, FLUSH)], sem).wait()

        @pl.when(cond)
        def _():
            src = pl.multiple_of(flushed & (RING - 1), FLUSH)
            dst = pl.multiple_of(base_tok + flushed, 16)
            pltpu.make_async_copy(ring_v.at[pl.ds(src, FLUSH)],
                                  out_hbm.at[pl.ds(dst, FLUSH)], sem).start()

        return (jnp.where(cond, flushed + FLUSH, flushed),
                jnp.where(cond, 1, pend))

    b0 = wid * BAGS_PER_W

    def _win_body(w, st):
        loc, flushed, pend = st
        safe = loc
        flushed, pend = _flush_step(safe, flushed, pend)
        flushed, pend = _flush_step(safe, flushed, pend)

        def _z_body(k, _):
            cnt_v[pl.ds(k * 16, 16)] = jnp.zeros((16,), jnp.int32)
            return 0
        lax.fori_loop(0, 16, _z_body, 0)

        def _a_body(g, loc):
            q = b0 + w * WIN + g * 16
            lvec = load16(q)
            incl = plsc.cumsum(lvec)
            offv = loc + incl - lvec
            rowb = ((q + lane) >> 12) << 8
            len128[pl.ds(g * 16, 16)] = lvec
            off128[pl.ds(g * 16, 16)] = offv
            row128[pl.ds(g * 16, 16)] = rowb
            plsc.addupdate_scatter(cnt_v, [lane * 16 + (lvec >> 4)], ones16)
            return loc + jnp.max(incl)

        loc = lax.fori_loop(0, 8, _a_body, loc)

        def _t_body(k, t):
            return t + cnt_v[pl.ds(k * 16, 16)]
        totals = lax.fori_loop(0, 16, _t_body, jnp.zeros((16,), jnp.int32))
        run0 = plsc.cumsum(totals) - totals

        def _lb_body(k, run):
            lb_v[pl.ds(k * 16, 16)] = run
            return run + cnt_v[pl.ds(k * 16, 16)]
        lax.fori_loop(0, 16, _lb_body, run0)

        def _c_body(g, _):
            lvec = len128[pl.ds(g * 16, 16)]
            idx = lane * 16 + (lvec >> 4)
            sp = plsc.load_gather(lb_v, [idx])
            plsc.addupdate_scatter(lb_v, [idx], ones16)
            plsc.store_scatter(s_len, [sp], lvec)
            plsc.store_scatter(s_off, [sp], off128[pl.ds(g * 16, 16)])
            plsc.store_scatter(s_row, [sp], row128[pl.ds(g * 16, 16)])
            return 0
        lax.fori_loop(0, 8, _c_body, 0)

        def _d_body(g, st):
            flushed, pend = st
            lvec = s_len[pl.ds(g * 16, 16)]
            offv = s_off[pl.ds(g * 16, 16)]
            rowb = s_row[pl.ds(g * 16, 16)]
            m = jnp.max(lvec)

            @plsc.parallel_loop(0, m, step=1, unroll=4)
            def _j_body(j):
                vals = plsc.load_gather(pw_v, [rowb + j])
                plsc.store_scatter(ring_v, [(offv + j) & (RING - 1)],
                                   vals, mask=lvec > j)
            flushed, pend = _flush_step(safe, flushed, pend)
            flushed, pend = _flush_step(safe, flushed, pend)
            return (flushed, pend)

        flushed, pend = lax.fori_loop(0, 8, _d_body, (flushed, pend))
        return (loc, flushed, pend)

    _, flushed, pend = lax.fori_loop(0, WINS_PER_W, _win_body,
                                     (h, jnp.int32(0), jnp.int32(0)))

    @pl.when(pend > 0)
    def _():
        prev = flushed - FLUSH
        psrc = pl.multiple_of(prev & (RING - 1), FLUSH)
        pdst = pl.multiple_of(base_tok + prev, 16)
        pltpu.make_async_copy(ring_v.at[pl.ds(psrc, FLUSH)],
                              out_hbm.at[pl.ds(pdst, FLUSH)], sem).wait()

    def _tf_body(i, flushed):
        full = t_end - flushed >= FLUSH

        @pl.when(full)
        def _():
            src = pl.multiple_of(flushed & (RING - 1), FLUSH)
            dst = pl.multiple_of(base_tok + flushed, 16)
            pltpu.sync_copy(ring_v.at[pl.ds(src, FLUSH)],
                            out_hbm.at[pl.ds(dst, FLUSH)])

        return jnp.where(full, flushed + FLUSH, flushed)

    flushed = lax.fori_loop(0, RING // FLUSH + 1, _tf_body, flushed)
    rem = t_end - flushed
    for sz in TAIL_SZS:
        bit = (rem & sz) != 0

        @pl.when(bit)
        def _(sz=sz, flushed=flushed):
            src = pl.multiple_of(flushed & (RING - 1), 16)
            dst = pl.multiple_of(base_tok + flushed, 16)
            pltpu.sync_copy(ring_v.at[pl.ds(src, sz)],
                            out_hbm.at[pl.ds(dst, sz)])

        flushed = jnp.where(bit, flushed + sz, flushed)


def kernel(values, lengths, position_weights):
    tot = values.shape[0]
    nblocks = -(-tot // 16)
    totp = max(16 * nblocks, 16)
    l32 = jnp.clip(lengths.astype(jnp.int32), 0, MAX_LEN)
    l4 = l32.reshape(-1, 4, 16)
    lenp = (l4[:, 0, :] | (l4[:, 1, :] << 8)
            | (l4[:, 2, :] << 16) | (l4[:, 3, :] << 24)).reshape(-1)
    pwp = jnp.pad(position_weights.astype(jnp.float32),
                  ((0, 0), (0, ROW_PAD - MAX_LEN))).reshape(PW_SZ)

    run = pl.kernel(
        functools.partial(_body, nblocks=nblocks, tot=tot),
        out_type=jax.ShapeDtypeStruct((totp,), jnp.float32),
        mesh=plsc.VectorSubcoreMesh(core_axis_name="c", subcore_axis_name="s"),
        scratch_types=[
            pltpu.VMEM((NCHUNK * 16,), jnp.int32),
            pltpu.VMEM((PW_SZ,), jnp.float32),
            pltpu.VMEM((RING,), jnp.float32),
            pltpu.VMEM((WIN,), jnp.int32),
            pltpu.VMEM((WIN,), jnp.int32),
            pltpu.VMEM((WIN,), jnp.int32),
            pltpu.VMEM((WIN,), jnp.int32),
            pltpu.VMEM((WIN,), jnp.int32),
            pltpu.VMEM((WIN,), jnp.int32),
            pltpu.VMEM((256,), jnp.int32),
            pltpu.VMEM((256,), jnp.int32),
            pltpu.VMEM((16,), jnp.int32),
            pltpu.SemaphoreType.DMA,
            pltpu.SemaphoreType.DMA,
        ],
        compiler_params=pltpu.CompilerParams(needs_layout_passes=False),
    )
    out = run(lenp, pwp)
    return out[:tot]

# --- scband reference (transcript-rebuilt; emitter-appended) ---
"""Pipeline reference for scband-position-weighted-module-collection-87230785782506 (READ-ONLY COPY).

The authoritative reference and input builder live on the scoring server;
editing this copy changes nothing except your own understanding.
"""

import jax, jax.numpy as jnp
import numpy as np

N_KEYS = 26
BATCH = 4096
MAX_LEN = 200


def setup_inputs() -> dict:
    rng = np.random.default_rng(0)
    # KJT layout is key-major: for each of N_KEYS keys, BATCH bags of jagged values.
    lengths = rng.integers(0, MAX_LEN, size=N_KEYS * BATCH).astype(np.int64)
    total = int(lengths.sum())
    values = rng.integers(0, 1000000, size=total).astype(np.int64)
    # PositionWeightedModuleCollection.reset_parameters fills each per-key
    # position weight vector (length MAX_LEN) with 1.0.
    position_weights = jnp.ones((N_KEYS, MAX_LEN), dtype=jnp.float32)
    return {
        "values": jnp.asarray(values),
        "lengths": jnp.asarray(lengths),
        "position_weights": position_weights,
    }


def reference(values, lengths, position_weights):
    # Faithful translation of forward():
    #   cat_seq = fbgemm.offsets_range(offsets, numel(values))
    #     -> for each bag, the positions 0..len-1 within that bag, concatenated.
    #   get_weights_list: for each key (all keys are in position_weights here),
    #     weights = gather(position_weights[key], cat_seq_slice_for_key)
    total = values.shape[0]
    offsets = jnp.concatenate(
        [jnp.zeros((1,), dtype=lengths.dtype), jnp.cumsum(lengths)]
    )
    starts = jnp.repeat(offsets[:-1], lengths, total_repeat_length=total)
    cat_seq = jnp.arange(total, dtype=lengths.dtype) - starts  # position within bag
    # Map each value to its key id (key-major bag layout: bag b -> key b // BATCH).
    bag_key = jnp.arange(N_KEYS * BATCH, dtype=lengths.dtype) // BATCH
    key_per_val = jnp.repeat(bag_key, lengths, total_repeat_length=total)
    weights = position_weights[key_per_val, cat_seq]
    # Output KJT reuses values/lengths unchanged; the new weights are the
    # computed tensor, so return them as the forward output.
    return weights

if __name__ == "__main__":
    import jax
    _d = setup_inputs()
    print(jax.jit(kernel)(*tuple(_d.values())))

</pallas_src>

<mosaic_0001>
#map = affine_map<(d0, d1) -> (0)>
module attributes {stable_mosaic.version = 14 : i64} {
  func.func @_body(%arg0: i32, %arg1: i32, %arg2: memref<26624xi32, #tpu.memory_space<hbm>>, %arg3: memref<6656xf32, #tpu.memory_space<hbm>>, %arg4: memref<10593760xf32, #tpu.memory_space<hbm>>, %arg5: memref<26624xi32, #tpu.memory_space<vmem>>, %arg6: memref<6656xf32, #tpu.memory_space<vmem>>, %arg7: memref<32768xf32, #tpu.memory_space<vmem>>, %arg8: memref<128xi32, #tpu.memory_space<vmem>>, %arg9: memref<128xi32, #tpu.memory_space<vmem>>, %arg10: memref<128xi32, #tpu.memory_space<vmem>>, %arg11: memref<128xi32, #tpu.memory_space<vmem>>, %arg12: memref<128xi32, #tpu.memory_space<vmem>>, %arg13: memref<128xi32, #tpu.memory_space<vmem>>, %arg14: memref<256xi32, #tpu.memory_space<vmem>>, %arg15: memref<256xi32, #tpu.memory_space<vmem>>, %arg16: memref<16xi32, #tpu.memory_space<vmem>>, %arg17: memref<!tpu.dma_semaphore, #tpu.memory_space<semaphore_mem>>, %arg18: memref<!tpu.dma_semaphore, #tpu.memory_space<semaphore_mem>>) attributes {dimension_semantics = [#tpu.dimension_semantics<core_parallel>, #tpu.dimension_semantics<subcore_parallel>], iteration_bounds = array<i64: 2, 16>, scalar_prefetch = 0 : i64, scratch_operands = 14 : i64, tpu.core_type = #tpu.core_type<sc_vector_subcore>, window_params = [{transform_indices = #map}, {transform_indices = #map}, {transform_indices = #map}]} {
    %mul3A = arith.constant 16 : i32
    %mul3A_0 = arith.muli %arg0, %mul3A : i32
    %add3A = arith.addi %mul3A_0, %arg1 : i32
    %mul3A_1 = arith.constant 832 : i32
    %mul3A_2 = arith.muli %add3A, %mul3A_1 : i32
    %multiple_of3A = tpu.assume_multiple %mul3A_2, 16 : i32
    "tpu.region"() ({
      %run_scoped3A = tpu.sem_alloc : memref<!tpu.dma_semaphore, #tpu.memory_space<semaphore_mem>>
      %dma_start3A = tpu.memref_slice %arg5[%multiple_of3A] : memref<26624xi32, #tpu.memory_space<vmem>> -> memref<832xi32, #tpu.memory_space<vmem>>
      %dma_start3A_159 = tpu.memref_slice %arg2[%multiple_of3A] : memref<26624xi32, #tpu.memory_space<hbm>> -> memref<832xi32, #tpu.memory_space<hbm>>
      %dma_start3A_160 = tpu.memref_slice %arg5[%multiple_of3A] : memref<26624xi32, #tpu.memory_space<vmem>> -> memref<832xi32, #tpu.memory_space<vmem>>
      %dma_start3A_161 = tpu.memref_slice %arg2[%multiple_of3A] : memref<26624xi32, #tpu.memory_space<hbm>> -> memref<832xi32, #tpu.memory_space<hbm>>
      tpu.enqueue_dma source(%dma_start3A_161 : memref<832xi32, #tpu.memory_space<hbm>>) target(%dma_start3A_160 : memref<832xi32, #tpu.memory_space<vmem>>) target_semaphore(%run_scoped3A : memref<!tpu.dma_semaphore, #tpu.memory_space<semaphore_mem>>)
      %dma_wait3A = tpu.memref_slice %arg5[%multiple_of3A] : memref<26624xi32, #tpu.memory_space<vmem>> -> memref<832xi32, #tpu.memory_space<vmem>>
      %dma_wait3A_162 = tpu.memref_slice %arg2[%multiple_of3A] : memref<26624xi32, #tpu.memory_space<hbm>> -> memref<832xi32, #tpu.memory_space<hbm>>
      %dma_wait3A_163 = tpu.memref_slice %arg5[%multiple_of3A] : memref<26624xi32, #tpu.memory_space<vmem>> -> memref<832xi32, #tpu.memory_space<vmem>>
      %dma_wait3A_164 = tpu.memref_slice %arg2[%multiple_of3A] : memref<26624xi32, #tpu.memory_space<hbm>> -> memref<832xi32, #tpu.memory_space<hbm>>
      tpu.wait_dma2 semaphore(%run_scoped3A : memref<!tpu.dma_semaphore, #tpu.memory_space<semaphore_mem>>) src(%dma_wait3A_164 : memref<832xi32, #tpu.memory_space<hbm>>) dst(%dma_wait3A_163 : memref<832xi32, #tpu.memory_space<vmem>>)
      tpu.yield
    }) : () -> ()
    "tpu.region"() ({
      %run_scoped3A = tpu.sem_alloc : memref<!tpu.dma_semaphore, #tpu.memory_space<semaphore_mem>>
      tpu.enqueue_dma source(%arg3 : memref<6656xf32, #tpu.memory_space<hbm>>) target(%arg6 : memref<6656xf32, #tpu.memory_space<vmem>>) target_semaphore(%run_scoped3A : memref<!tpu.dma_semaphore, #tpu.memory_space<semaphore_mem>>)
      tpu.wait_dma2 semaphore(%run_scoped3A : memref<!tpu.dma_semaphore, #tpu.memory_space<semaphore_mem>>) src(%arg3 : memref<6656xf32, #tpu.memory_space<hbm>>) dst(%arg6 : memref<6656xf32, #tpu.memory_space<vmem>>)
      tpu.yield
    }) : () -> ()
    %le3A = arith.constant 16 : i32
    %le3A_3 = arith.cmpi sle, %add3A, %le3A : i32
    %add3A_4 = arith.constant 1 : i32
    %add3A_5 = arith.addi %add3A, %add3A_4 : i32
    %jit3A = arith.constant 0 : i32
    %select_n3A = arith.select %le3A_3, %jit3A, %add3A_5 : i32
    %jit3A_6 = arith.constant 32 : i32
    %select_n3A_7 = arith.select %le3A_3, %add3A, %jit3A_6 : i32
    %while3A = arith.constant 0 : i32
    %while3A_8 = arith.subi %select_n3A_7, %select_n3A : i32
    %while3A_9 = arith.addi %select_n3A, %while3A_8 : i32
    %while3A_10 = arith.constant 1 : i32
    %while3A_11 = arith.divsi %while3A_8, %while3A_10 : i32
    %while3A_12 = arith.muli %while3A_11, %while3A_10 : i32
    %while3A_13 = arith.addi %select_n3A, %while3A_12 : i32
    %while3A_14 = arith.constant 1 : i32
    %while3A_15 = scf.for %while3A_159 = %select_n3A to %while3A_13 step %while3A_14 iter_args(%while3A_160 = %while3A) -> (i32)  : i32 {
      %mul3A_161 = arith.constant 832 : i32
      %mul3A_162 = arith.muli %while3A_159, %mul3A_161 : i32
      %multiple_of3A_163 = tpu.assume_multiple %mul3A_162, 16 : i32
      %dma_start3A = tpu.memref_slice %arg5[%multiple_of3A_163] : memref<26624xi32, #tpu.memory_space<vmem>> -> memref<832xi32, #tpu.memory_space<vmem>>
      %dma_start3A_164 = tpu.memref_slice %arg2[%multiple_of3A_163] : memref<26624xi32, #tpu.memory_space<hbm>> -> memref<832xi32, #tpu.memory_space<hbm>>
      %dma_start3A_165 = tpu.memref_slice %arg5[%multiple_of3A_163] : memref<26624xi32, #tpu.memory_space<vmem>> -> memref<832xi32, #tpu.memory_space<vmem>>
      %dma_start3A_166 = tpu.memref_slice %arg2[%multiple_of3A_163] : memref<26624xi32, #tpu.memory_space<hbm>> -> memref<832xi32, #tpu.memory_space<hbm>>
      tpu.enqueue_dma source(%dma_start3A_166 : memref<832xi32, #tpu.memory_space<hbm>>) target(%dma_start3A_165 : memref<832xi32, #tpu.memory_space<vmem>>) target_semaphore(%arg18 : memref<!tpu.dma_semaphore, #tpu.memory_space<semaphore_mem>>)
      %while3A_167 = arith.constant 0 : i32
      scf.yield %while3A_167 : i32
    }
    %while3A_16 = arith.constant 1 : i32
    %while3A_17 = scf.for %while3A_159 = %while3A_13 to %while3A_9 step %while3A_16 iter_args(%while3A_160 = %while3A_15) -> (i32)  : i32 {
      %mul3A_161 = arith.constant 832 : i32
      %mul3A_162 = arith.muli %while3A_159, %mul3A_161 : i32
      %multiple_of3A_163 = tpu.assume_multiple %mul3A_162, 16 : i32
      %dma_start3A = tpu.memref_slice %arg5[%multiple_of3A_163] : memref<26624xi32, #tpu.memory_space<vmem>> -> memref<832xi32, #tpu.memory_space<vmem>>
      %dma_start3A_164 = tpu.memref_slice %arg2[%multiple_of3A_163] : memref<26624xi32, #tpu.memory_space<hbm>> -> memref<832xi32, #tpu.memory_space<hbm>>
      %dma_start3A_165 = tpu.memref_slice %arg5[%multiple_of3A_163] : memref<26624xi32, #tpu.memory_space<vmem>> -> memref<832xi32, #tpu.memory_space<vmem>>
      %dma_start3A_166 = tpu.memref_slice %arg2[%multiple_of3A_163] : memref<26624xi32, #tpu.memory_space<hbm>> -> memref<832xi32, #tpu.memory_space<hbm>>
      tpu.enqueue_dma source(%dma_start3A_166 : memref<832xi32, #tpu.memory_space<hbm>>) target(%dma_start3A_165 : memref<832xi32, #tpu.memory_space<vmem>>) target_semaphore(%arg18 : memref<!tpu.dma_semaphore, #tpu.memory_space<semaphore_mem>>)
      %while3A_167 = arith.constant 0 : i32
      scf.yield %while3A_167 : i32
    }
    %while3A_18 = arith.constant 0 : i32
    %while3A_19 = arith.subi %select_n3A_7, %select_n3A : i32
    %while3A_20 = arith.addi %select_n3A, %while3A_19 : i32
    %while3A_21 = arith.constant 1 : i32
    %while3A_22 = arith.divsi %while3A_19, %while3A_21 : i32
    %while3A_23 = arith.muli %while3A_22, %while3A_21 : i32
    %while3A_24 = arith.addi %select_n3A, %while3A_23 : i32
    %while3A_25 = arith.constant 1 : i32
    %while3A_26 = scf.for %while3A_159 = %select_n3A to %while3A_24 step %while3A_25 iter_args(%while3A_160 = %while3A_18) -> (i32)  : i32 {
      %mul3A_161 = arith.constant 832 : i32
      %mul3A_162 = arith.muli %while3A_159, %mul3A_161 : i32
      %multiple_of3A_163 = tpu.assume_multiple %mul3A_162, 16 : i32
      %dma_wait3A = tpu.memref_slice %arg5[%multiple_of3A_163] : memref<26624xi32, #tpu.memory_space<vmem>> -> memref<832xi32, #tpu.memory_space<vmem>>
      %dma_wait3A_164 = tpu.memref_slice %arg2[%multiple_of3A_163] : memref<26624xi32, #tpu.memory_space<hbm>> -> memref<832xi32, #tpu.memory_space<hbm>>
      %dma_wait3A_165 = tpu.memref_slice %arg5[%multiple_of3A_163] : memref<26624xi32, #tpu.memory_space<vmem>> -> memref<832xi32, #tpu.memory_space<vmem>>
      %dma_wait3A_166 = tpu.memref_slice %arg2[%multiple_of3A_163] : memref<26624xi32, #tpu.memory_space<hbm>> -> memref<832xi32, #tpu.memory_space<hbm>>
      tpu.wait_dma2 semaphore(%arg18 : memref<!tpu.dma_semaphore, #tpu.memory_space<semaphore_mem>>) src(%dma_wait3A_166 : memref<832xi32, #tpu.memory_space<hbm>>) dst(%dma_wait3A_165 : memref<832xi32, #tpu.memory_space<vmem>>)
      %while3A_167 = arith.constant 0 : i32
      scf.yield %while3A_167 : i32
    }
    %while3A_27 = arith.constant 1 : i32
    %while3A_28 = scf.for %while3A_159 = %while3A_24 to %while3A_20 step %while3A_27 iter_args(%while3A_160 = %while3A_26) -> (i32)  : i32 {
      %mul3A_161 = arith.constant 832 : i32
      %mul3A_162 = arith.muli %while3A_159, %mul3A_161 : i32
      %multiple_of3A_163 = tpu.assume_multiple %mul3A_162, 16 : i32
      %dma_wait3A = tpu.memref_slice %arg5[%multiple_of3A_163] : memref<26624xi32, #tpu.memory_space<vmem>> -> memref<832xi32, #tpu.memory_space<vmem>>
      %dma_wait3A_164 = tpu.memref_slice %arg2[%multiple_of3A_163] : memref<26624xi32, #tpu.memory_space<hbm>> -> memref<832xi32, #tpu.memory_space<hbm>>
      %dma_wait3A_165 = tpu.memref_slice %arg5[%multiple_of3A_163] : memref<26624xi32, #tpu.memory_space<vmem>> -> memref<832xi32, #tpu.memory_space<vmem>>
      %dma_wait3A_166 = tpu.memref_slice %arg2[%multiple_of3A_163] : memref<26624xi32, #tpu.memory_space<hbm>> -> memref<832xi32, #tpu.memory_space<hbm>>
      tpu.wait_dma2 semaphore(%arg18 : memref<!tpu.dma_semaphore, #tpu.memory_space<semaphore_mem>>) src(%dma_wait3A_166 : memref<832xi32, #tpu.memory_space<hbm>>) dst(%dma_wait3A_165 : memref<832xi32, #tpu.memory_space<vmem>>)
      %while3A_167 = arith.constant 0 : i32
      scf.yield %while3A_167 : i32
    }
    %iota3A = tpu.iota {dimensions = array<i32: 0>} : vector<16xi32>
    %broadcast_in_dim3A = arith.constant 1 : i32
    %broadcast_in_dim3A_29 = vector.broadcast %broadcast_in_dim3A : i32 to vector<16xi32>
    %mul3A_30 = arith.constant 52 : i32
    %mul3A_31 = arith.muli %add3A, %mul3A_30 : i32
    %add3A_32 = arith.constant 52 : i32
    %add3A_33 = arith.addi %mul3A_31, %add3A_32 : i32
    %broadcast_in_dim3A_34 = arith.constant 0 : i32
    %broadcast_in_dim3A_35 = vector.broadcast %broadcast_in_dim3A_34 : i32 to vector<16xi32>
    %parallel_loop3A = arith.constant 1 : i32
    %parallel_loop3A_36 = scf.for %parallel_loop3A_159 = %mul3A_31 to %add3A_33 step %parallel_loop3A iter_args(%parallel_loop3A_160 = %broadcast_in_dim3A_35) -> (vector<16xi32>)  : i32 {
      %parallel_loop3A_161 = arith.constant 16 : i32
      %parallel_loop3A_162 = arith.muli %parallel_loop3A_159, %parallel_loop3A_161 : i32
      %parallel_loop3A_163 = arith.index_cast %parallel_loop3A_162 : i32 to index
      %parallel_loop3A_164 = tpu.vector_load %arg5[%parallel_loop3A_163] {strides = array<i32>} : memref<26624xi32, #tpu.memory_space<vmem>>, vector<16xi32>,
      %parallel_loop3A_165 = arith.constant 255 : i32
      %parallel_loop3A_166 = vector.broadcast %parallel_loop3A_165 : i32 to vector<16xi32>
      %parallel_loop3A_167 = arith.andi %parallel_loop3A_164, %parallel_loop3A_166 : vector<16xi32>
      %parallel_loop3A_168 = arith.addi %parallel_loop3A_160, %parallel_loop3A_167 : vector<16xi32>
      %parallel_loop3A_169 = arith.constant 8 : i32
      %parallel_loop3A_170 = vector.broadcast %parallel_loop3A_169 : i32 to vector<16xi32>
      %parallel_loop3A_171 = arith.shrsi %parallel_loop3A_164, %parallel_loop3A_170 : vector<16xi32>
      %parallel_loop3A_172 = arith.constant 255 : i32
      %parallel_loop3A_173 = vector.broadcast %parallel_loop3A_172 : i32 to vector<16xi32>
      %parallel_loop3A_174 = arith.andi %parallel_loop3A_171, %parallel_loop3A_173 : vector<16xi32>
      %parallel_loop3A_175 = arith.addi %parallel_loop3A_168, %parallel_loop3A_174 : vector<16xi32>
      %parallel_loop3A_176 = arith.constant 16 : i32
      %parallel_loop3A_177 = vector.broadcast %parallel_loop3A_176 : i32 to vector<16xi32>
      %parallel_loop3A_178 = arith.shrsi %parallel_loop3A_164, %parallel_loop3A_177 : vector<16xi32>
      %parallel_loop3A_179 = arith.constant 255 : i32
      %parallel_loop3A_180 = vector.broadcast %parallel_loop3A_179 : i32 to vector<16xi32>
      %parallel_loop3A_181 = arith.andi %parallel_loop3A_178, %parallel_loop3A_180 : vector<16xi32>
      %parallel_loop3A_182 = arith.addi %parallel_loop3A_175, %parallel_loop3A_181 : vector<16xi32>
      %parallel_loop3A_183 = arith.constant 24 : i32
      %parallel_loop3A_184 = vector.broadcast %parallel_loop3A_183 : i32 to vector<16xi32>
      %parallel_loop3A_185 = arith.shrsi %parallel_loop3A_164, %parallel_loop3A_184 : vector<16xi32>
      %parallel_loop3A_186 = arith.constant 255 : i32
      %parallel_loop3A_187 = vector.broadcast %parallel_loop3A_186 : i32 to vector<16xi32>
      %parallel_loop3A_188 = arith.andi %parallel_loop3A_185, %parallel_loop3A_187 : vector<16xi32>
      %parallel_loop3A_189 = arith.addi %parallel_loop3A_182, %parallel_loop3A_188 : vector<16xi32>
      scf.yield %parallel_loop3A_189 : vector<16xi32>
    } {sc.loop_unroll_factor = 4 : i64, sc.parallel_access}
    %reduce_sum3A = arith.constant true
    %reduce_sum3A_37 = vector.broadcast %reduce_sum3A : i1 to vector<16xi1>
    %reduce_sum3A_38 = tpu.scan <sum>, %parallel_loop3A_36 masked %reduce_sum3A_37 : vector<16xi32>, vector<16xi1> -> vector<16xi32>
    %reduce_sum3A_39 = vector.extract %reduce_sum3A_38[15] : i32 from vector<16xi32>
    %add3A_40 = arith.constant 52 : i32
    %add3A_41 = arith.addi %mul3A_31, %add3A_40 : i32
    %jit3A_42 = arith.constant 0 : i32
    %select_n3A_43 = arith.select %le3A_3, %jit3A_42, %add3A_41 : i32
    %jit3A_44 = arith.constant 1664 : i32
    %select_n3A_45 = arith.select %le3A_3, %mul3A_31, %jit3A_44 : i32
    %broadcast_in_dim3A_46 = arith.constant 0 : i32
    %broadcast_in_dim3A_47 = vector.broadcast %broadcast_in_dim3A_46 : i32 to vector<16xi32>
    %parallel_loop3A_48 = arith.constant 1 : i32
    %parallel_loop3A_49 = scf.for %parallel_loop3A_159 = %select_n3A_43 to %select_n3A_45 step %parallel_loop3A_48 iter_args(%parallel_loop3A_160 = %broadcast_in_dim3A_47) -> (vector<16xi32>)  : i32 {
      %parallel_loop3A_161 = arith.constant 16 : i32
      %parallel_loop3A_162 = arith.muli %parallel_loop3A_159, %parallel_loop3A_161 : i32
      %parallel_loop3A_163 = arith.index_cast %parallel_loop3A_162 : i32 to index
      %parallel_loop3A_164 = tpu.vector_load %arg5[%parallel_loop3A_163] {strides = array<i32>} : memref<26624xi32, #tpu.memory_space<vmem>>, vector<16xi32>,
      %parallel_loop3A_165 = arith.constant 255 : i32
      %parallel_loop3A_166 = vector.broadcast %parallel_loop3A_165 : i32 to vector<16xi32>
      %parallel_loop3A_167 = arith.andi %parallel_loop3A_164, %parallel_loop3A_166 : vector<16xi32>
      %parallel_loop3A_168 = arith.addi %parallel_loop3A_160, %parallel_loop3A_167 : vector<16xi32>
      %parallel_loop3A_169 = arith.constant 8 : i32
      %parallel_loop3A_170 = vector.broadcast %parallel_loop3A_169 : i32 to vector<16xi32>
      %parallel_loop3A_171 = arith.shrsi %parallel_loop3A_164, %parallel_loop3A_170 : vector<16xi32>
      %parallel_loop3A_172 = arith.constant 255 : i32
      %parallel_loop3A_173 = vector.broadcast %parallel_loop3A_172 : i32 to vector<16xi32>
      %parallel_loop3A_174 = arith.andi %parallel_loop3A_171, %parallel_loop3A_173 : vector<16xi32>
      %parallel_loop3A_175 = arith.addi %parallel_loop3A_168, %parallel_loop3A_174 : vector<16xi32>
      %parallel_loop3A_176 = arith.constant 16 : i32
      %parallel_loop3A_177 = vector.broadcast %parallel_loop3A_176 : i32 to vector<16xi32>
      %parallel_loop3A_178 = arith.shrsi %parallel_loop3A_164, %parallel_loop3A_177 : vector<16xi32>
      %parallel_loop3A_179 = arith.constant 255 : i32
      %parallel_loop3A_180 = vector.broadcast %parallel_loop3A_179 : i32 to vector<16xi32>
      %parallel_loop3A_181 = arith.andi %parallel_loop3A_178, %parallel_loop3A_180 : vector<16xi32>
      %parallel_loop3A_182 = arith.addi %parallel_loop3A_175, %parallel_loop3A_181 : vector<16xi32>
      %parallel_loop3A_183 = arith.constant 24 : i32
      %parallel_loop3A_184 = vector.broadcast %parallel_loop3A_183 : i32 to vector<16xi32>
      %parallel_loop3A_185 = arith.shrsi %parallel_loop3A_164, %parallel_loop3A_184 : vector<16xi32>
      %parallel_loop3A_186 = arith.constant 255 : i32
      %parallel_loop3A_187 = vector.broadcast %parallel_loop3A_186 : i32 to vector<16xi32>
      %parallel_loop3A_188 = arith.andi %parallel_loop3A_185, %parallel_loop3A_187 : vector<16xi32>
      %parallel_loop3A_189 = arith.addi %parallel_loop3A_182, %parallel_loop3A_188 : vector<16xi32>
      scf.yield %parallel_loop3A_189 : vector<16xi32>
    } {sc.loop_unroll_factor = 4 : i64, sc.parallel_access}
    %reduce_sum3A_50 = arith.constant true
    %reduce_sum3A_51 = vector.broadcast %reduce_sum3A_50 : i1 to vector<16xi1>
    %reduce_sum3A_52 = tpu.scan <sum>, %parallel_loop3A_49 masked %reduce_sum3A_51 : vector<16xi32>, vector<16xi1> -> vector<16xi32>
    %reduce_sum3A_53 = vector.extract %reduce_sum3A_52[15] : i32 from vector<16xi32>
    %sub3A = arith.constant 10593753 : i32
    %sub3A_54 = arith.subi %sub3A, %reduce_sum3A_39 : i32
    %sub3A_55 = arith.subi %sub3A_54, %reduce_sum3A_53 : i32
    %select_n3A_56 = arith.select %le3A_3, %reduce_sum3A_53, %sub3A_55 : i32
    %add3A_57 = arith.addi %select_n3A_56, %reduce_sum3A_39 : i32
    %shift_right_arithmetic3A = arith.constant 4 : i32
    %shift_right_arithmetic3A_58 = arith.shrsi %select_n3A_56, %shift_right_arithmetic3A : i32
    %shift_left3A = arith.constant 4 : i32
    %shift_left3A_59 = arith.shli %shift_right_arithmetic3A_58, %shift_left3A : i32
    %sub3A_60 = arith.subi %select_n3A_56, %shift_left3A_59 : i32
    %eq3A = arith.constant 31 : i32
    %eq3A_61 = arith.cmpi eq, %add3A, %eq3A : i32
    %shift_right_arithmetic3A_62 = arith.constant 4 : i32
    %shift_right_arithmetic3A_63 = arith.shrsi %add3A_57, %shift_right_arithmetic3A_62 : i32
    %jit3A_64 = arith.constant 662110 : i32
    %select_n3A_65 = arith.select %eq3A_61, %jit3A_64, %shift_right_arithmetic3A_63 : i32
    %shift_left3A_66 = arith.constant 4 : i32
    %shift_left3A_67 = arith.shli %select_n3A_65, %shift_left3A_66 : i32
    %sub3A_68 = arith.subi %shift_left3A_67, %shift_left3A_59 : i32
    %mul3A_69 = arith.constant 3328 : i32
    %mul3A_70 = arith.muli %add3A, %mul3A_69 : i32
    %while3A_71 = arith.constant 0 : i32
    %while3A_72:2 = scf.while (%while3A_159 = %mul3A_70, %while3A_160 = %while3A_71) : (i32, i32) -> (i32, i32) {
      %lt3A = arith.cmpi slt, %while3A_160, %sub3A_60 : i32
      %ge3A = arith.constant 16 : i32
      %ge3A_161 = arith.cmpi sge, %while3A_159, %ge3A : i32
      %and3A_162 = arith.andi %lt3A, %ge3A_161 : i1
      scf.condition(%and3A_162) %while3A_159, %while3A_160 : i32, i32
    } do {
    ^bb0(%while3A_159: i32, %while3A_160: i32):
      %sub3A_161 = arith.constant 16 : i32
      %sub3A_162 = arith.subi %while3A_159, %sub3A_161 : i32
      %shift_right_arithmetic3A_163 = arith.constant 6 : i32
      %shift_right_arithmetic3A_164 = arith.shrsi %sub3A_162, %shift_right_arithmetic3A_163 : i32
      %shift_left3A_165 = arith.constant 4 : i32
      %shift_left3A_166 = arith.shli %shift_right_arithmetic3A_164, %shift_left3A_165 : i32
      %multiple_of3A_167 = tpu.assume_multiple %shift_left3A_166, 16 : i32
      "tpu.region"() ({
        %run_scoped3A = tpu.sem_alloc : memref<!tpu.dma_semaphore, #tpu.memory_space<semaphore_mem>>
        %dma_start3A = tpu.memref_slice %arg2[%multiple_of3A_167] : memref<26624xi32, #tpu.memory_space<hbm>> -> memref<16xi32, #tpu.memory_space<hbm>>
        %dma_start3A_211 = tpu.memref_slice %arg2[%multiple_of3A_167] : memref<26624xi32, #tpu.memory_space<hbm>> -> memref<16xi32, #tpu.memory_space<hbm>>
        tpu.enqueue_dma source(%dma_start3A_211 : memref<16xi32, #tpu.memory_space<hbm>>) target(%arg16 : memref<16xi32, #tpu.memory_space<vmem>>) target_semaphore(%run_scoped3A : memref<!tpu.dma_semaphore, #tpu.memory_space<semaphore_mem>>)
        %dma_wait3A = tpu.memref_slice %arg2[%multiple_of3A_167] : memref<26624xi32, #tpu.memory_space<hbm>> -> memref<16xi32, #tpu.memory_space<hbm>>
        %dma_wait3A_212 = tpu.memref_slice %arg2[%multiple_of3A_167] : memref<26624xi32, #tpu.memory_space<hbm>> -> memref<16xi32, #tpu.memory_space<hbm>>
        tpu.wait_dma2 semaphore(%run_scoped3A : memref<!tpu.dma_semaphore, #tpu.memory_space<semaphore_mem>>) src(%dma_wait3A_212 : memref<16xi32, #tpu.memory_space<hbm>>) dst(%arg16 : memref<16xi32, #tpu.memory_space<vmem>>)
        tpu.yield
      }) : () -> ()
      %get3A = arith.constant 0 : index
      %get3A_168 = tpu.vector_load %arg16[%get3A] {strides = array<i32>} : memref<16xi32, #tpu.memory_space<vmem>>, vector<16xi32>,
      %shift_right_arithmetic3A_169 = arith.constant 4 : i32
      %shift_right_arithmetic3A_170 = arith.shrsi %sub3A_162, %shift_right_arithmetic3A_169 : i32
      %and3A_171 = arith.constant 3 : i32
      %and3A_172 = arith.andi %shift_right_arithmetic3A_170, %and3A_171 : i32
      %mul3A_173 = arith.constant 8 : i32
      %mul3A_174 = arith.muli %and3A_172, %mul3A_173 : i32
      %shift_right_arithmetic3A_175 = vector.broadcast %mul3A_174 : i32 to vector<16xi32>
      %shift_right_arithmetic3A_176 = arith.shrsi %get3A_168, %shift_right_arithmetic3A_175 : vector<16xi32>
      %and3A_177 = arith.constant 255 : i32
      %and3A_178 = vector.broadcast %and3A_177 : i32 to vector<16xi32>
      %and3A_179 = arith.andi %shift_right_arithmetic3A_176, %and3A_178 : vector<16xi32>
      %broadcast_in_dim3A_180 = arith.constant true
      %broadcast_in_dim3A_181 = vector.broadcast %broadcast_in_dim3A_180 : i1 to vector<16xi1>
      %masked_cumsum3A = tpu.scan <sum>, %and3A_179 masked %broadcast_in_dim3A_181 : vector<16xi32>, vector<16xi1> -> vector<16xi32>
      %reduce_max3A = arith.constant true
      %reduce_max3A_182 = vector.broadcast %reduce_max3A : i1 to vector<16xi1>
      %reduce_max3A_183 = arith.constant -2147483648 : i32
      %reduce_max3A_184 = vector.broadcast %reduce_max3A_183 : i32 to vector<16xi32>
      %reduce_max3A_185 = arith.xori %masked_cumsum3A, %reduce_max3A_184 : vector<16xi32>
      %reduce_max3A_186 = tpu.scan <max>, %reduce_max3A_185 masked %reduce_max3A_182 : vector<16xi32>, vector<16xi1> -> vector<16xi32>
      %reduce_max3A_187 = arith.xori %reduce_max3A_186, %reduce_max3A_184 : vector<16xi32>
      %reduce_max3A_188 = vector.extract %reduce_max3A_187[15] : i32 from vector<16xi32>
      %sub3A_189 = vector.broadcast %reduce_max3A_188 : i32 to vector<16xi32>
      %sub3A_190 = arith.subi %sub3A_189, %masked_cumsum3A : vector<16xi32>
      %add3A_191 = vector.broadcast %sub3A_162 : i32 to vector<16xi32>
      %add3A_192 = arith.addi %add3A_191, %iota3A : vector<16xi32>
      %shift_right_arithmetic3A_193 = arith.constant 12 : i32
      %shift_right_arithmetic3A_194 = vector.broadcast %shift_right_arithmetic3A_193 : i32 to vector<16xi32>
      %shift_right_arithmetic3A_195 = arith.shrsi %add3A_192, %shift_right_arithmetic3A_194 : vector<16xi32>
      %shift_left3A_196 = arith.constant 8 : i32
      %shift_left3A_197 = vector.broadcast %shift_left3A_196 : i32 to vector<16xi32>
      %shift_left3A_198 = arith.shli %shift_right_arithmetic3A_195, %shift_left3A_197 : vector<16xi32>
      %sub3A_199 = vector.broadcast %sub3A_60 : i32 to vector<16xi32>
      %sub3A_200 = arith.subi %sub3A_199, %iota3A : vector<16xi32>
      %scan3A_201 = arith.constant 0 : i32
      %scan3A_202 = arith.constant 0 : i32
      %scan3A_203 = arith.constant 16 : i32
      %scan3A_204 = arith.addi %scan3A_202, %scan3A_203 : i32
      %scan3A_205 = arith.constant 1 : i32
      %scan3A_206 = scf.for %scan3A_211 = %scan3A_202 to %scan3A_204 step %scan3A_205 iter_args(%scan3A_212 = %scan3A_201) -> (i32)  : i32 {
        %eq3A_213 = vector.broadcast %scan3A_211 : i32 to vector<16xi32>
        %eq3A_214 = arith.cmpi eq, %iota3A, %eq3A_213 : vector<16xi32>
        %jit3A_215 = arith.constant 0 : i32
        %broadcast_in_dim3A_216 = vector.broadcast %jit3A_215 : i32 to vector<16xi32>
        %select_n3A_217 = arith.select %eq3A_214, %sub3A_190, %broadcast_in_dim3A_216 : vector<16xi1>, vector<16xi32>
        %reduce_sum3A_218 = arith.constant true
        %reduce_sum3A_219 = vector.broadcast %reduce_sum3A_218 : i1 to vector<16xi1>
        %reduce_sum3A_220 = tpu.scan <sum>, %select_n3A_217 masked %reduce_sum3A_219 : vector<16xi32>, vector<16xi1> -> vector<16xi32>
        %reduce_sum3A_221 = vector.extract %reduce_sum3A_220[15] : i32 from vector<16xi32>
        %add3A_222 = arith.addi %reduce_sum3A_221, %while3A_160 : i32
        %eq3A_223 = vector.broadcast %scan3A_211 : i32 to vector<16xi32>
        %eq3A_224 = arith.cmpi eq, %iota3A, %eq3A_223 : vector<16xi32>
        %jit3A_225 = arith.constant 0 : i32
        %broadcast_in_dim3A_226 = vector.broadcast %jit3A_225 : i32 to vector<16xi32>
        %select_n3A_227 = arith.select %eq3A_224, %and3A_179, %broadcast_in_dim3A_226 : vector<16xi1>, vector<16xi32>
        %reduce_sum3A_228 = arith.constant true
        %reduce_sum3A_229 = vector.broadcast %reduce_sum3A_228 : i1 to vector<16xi1>
        %reduce_sum3A_230 = tpu.scan <sum>, %select_n3A_227 masked %reduce_sum3A_229 : vector<16xi32>, vector<16xi1> -> vector<16xi32>
        %reduce_sum3A_231 = vector.extract %reduce_sum3A_230[15] : i32 from vector<16xi32>
        %eq3A_232 = vector.broadcast %scan3A_211 : i32 to vector<16xi32>
        %eq3A_233 = arith.cmpi eq, %iota3A, %eq3A_232 : vector<16xi32>
        %jit3A_234 = arith.constant 0 : i32
        %broadcast_in_dim3A_235 = vector.broadcast %jit3A_234 : i32 to vector<16xi32>
        %select_n3A_236 = arith.select %eq3A_233, %shift_left3A_198, %broadcast_in_dim3A_235 : vector<16xi1>, vector<16xi32>
        %reduce_sum3A_237 = arith.constant true
        %reduce_sum3A_238 = vector.broadcast %reduce_sum3A_237 : i1 to vector<16xi1>
        %reduce_sum3A_239 = tpu.scan <sum>, %select_n3A_236 masked %reduce_sum3A_238 : vector<16xi32>, vector<16xi1> -> vector<16xi32>
        %reduce_sum3A_240 = vector.extract %reduce_sum3A_239[15] : i32 from vector<16xi32>
        %gt3A_241 = vector.broadcast %add3A_222 : i32 to vector<16xi32>
        %gt3A_242 = arith.cmpi sgt, %sub3A_200, %gt3A_241 : vector<16xi32>
        %add3A_243 = arith.addi %add3A_222, %reduce_sum3A_231 : i32
        %le3A_244 = vector.broadcast %add3A_243 : i32 to vector<16xi32>
        %le3A_245 = arith.cmpi sle, %sub3A_200, %le3A_244 : vector<16xi32>
        %and3A_246 = arith.andi %gt3A_242, %le3A_245 : vector<16xi1>
        %lt3A = vector.broadcast %sub3A_60 : i32 to vector<16xi32>
        %lt3A_247 = arith.cmpi slt, %iota3A, %lt3A : vector<16xi32>
        %and3A_248 = arith.andi %and3A_246, %lt3A_247 : vector<16xi1>
        %sub3A_249 = vector.broadcast %add3A_222 : i32 to vector<16xi32>
        %sub3A_250 = arith.subi %sub3A_200, %sub3A_249 : vector<16xi32>
        %sub3A_251 = vector.broadcast %reduce_sum3A_231 : i32 to vector<16xi32>
        %sub3A_252 = arith.subi %sub3A_251, %sub3A_250 : vector<16xi32>
        %jit3A_253 = arith.constant 0 : i32
        %jit3A_254 = arith.constant 200 : i32
        %max3A = vector.broadcast %jit3A_253 : i32 to vector<16xi32>
        %max3A_255 = arith.maxsi %max3A, %sub3A_252 : vector<16xi32>
        %min3A = vector.broadcast %jit3A_254 : i32 to vector<16xi32>
        %min3A_256 = arith.minsi %min3A, %max3A_255 : vector<16xi32>
        %add3A_257 = vector.broadcast %reduce_sum3A_240 : i32 to vector<16xi32>
        %add3A_258 = arith.addi %add3A_257, %min3A_256 : vector<16xi32>
        %gather3A = tpu.vector_load_idx %arg6[%add3A_258] : memref<6656xf32, #tpu.memory_space<vmem>>[vector<16xi32>], vector<16xf32>,
        tpu.vector_store_idx %arg7[%iota3A], %gather3A masked %and3A_248 : memref<32768xf32, #tpu.memory_space<vmem>>[vector<16xi32>], vector<16xf32>, vector<16xi1>
        %scan3A_259 = arith.constant 0 : i32
        scf.yield %scan3A_259 : i32
      }
      %scan3A_207 = arith.constant 16 : i32
      %sub3A_208 = arith.constant 16 : i32
      %sub3A_209 = arith.subi %while3A_159, %sub3A_208 : i32
      %add3A_210 = arith.addi %while3A_160, %reduce_max3A_188 : i32
      scf.yield %sub3A_209, %add3A_210 : i32, i32
    }
    %mul3A_73 = arith.constant 3328 : i32
    %mul3A_74 = arith.muli %add3A, %mul3A_73 : i32
    %scan3A = arith.constant 0 : i32
    %scan3A_75 = arith.constant 0 : i32
    %scan3A_76 = arith.constant 0 : i32
    %scan3A_77 = arith.constant 26 : i32
    %scan3A_78 = arith.addi %scan3A_76, %scan3A_77 : i32
    %scan3A_79 = arith.constant 1 : i32
    %scan3A_80:3 = scf.for %scan3A_159 = %scan3A_76 to %scan3A_78 step %scan3A_79 iter_args(%scan3A_160 = %sub3A_60, %scan3A_161 = %scan3A, %scan3A_162 = %scan3A_75) -> (i32, i32, i32)  : i32 {
      %add3A_163 = arith.constant 2048 : i32
      %add3A_164 = arith.addi %scan3A_161, %add3A_163 : i32
      %le3A_165 = arith.cmpi sle, %add3A_164, %scan3A_160 : i32
      %add3A_166 = arith.constant 2048 : i32
      %add3A_167 = arith.addi %scan3A_161, %add3A_166 : i32
      %le3A_168 = arith.cmpi sle, %add3A_167, %sub3A_68 : i32
      %and3A_169 = arith.andi %le3A_165, %le3A_168 : i1
      %gt3A_170 = arith.constant 0 : i32
      %gt3A_171 = arith.cmpi sgt, %scan3A_162, %gt3A_170 : i32
      %and3A_172 = arith.andi %and3A_169, %gt3A_171 : i1
      %convert_element_type3A_173 = arith.extui %and3A_172 : i1 to i32
      %cond3A_174 = arith.constant 0 : i32
      %cond3A_175 = arith.cmpi ne, %convert_element_type3A_173, %cond3A_174 : i32
      scf.if %cond3A_175 {
        %sub3A_248 = arith.constant 2048 : i32
        %sub3A_249 = arith.subi %scan3A_161, %sub3A_248 : i32
        %and3A_250 = arith.constant 32767 : i32
        %and3A_251 = arith.andi %sub3A_249, %and3A_250 : i32
        %multiple_of3A_252 = tpu.assume_multiple %and3A_251, 2048 : i32
        %add3A_253 = arith.addi %shift_left3A_59, %sub3A_249 : i32
        %multiple_of3A_254 = tpu.assume_multiple %add3A_253, 16 : i32
        %dma_wait3A = tpu.memref_slice %arg7[%multiple_of3A_252] : memref<32768xf32, #tpu.memory_space<vmem>> -> memref<2048xf32, #tpu.memory_space<vmem>>
        %dma_wait3A_255 = tpu.memref_slice %arg4[%multiple_of3A_254] : memref<10593760xf32, #tpu.memory_space<hbm>> -> memref<2048xf32, #tpu.memory_space<hbm>>
        %dma_wait3A_256 = tpu.memref_slice %arg4[%multiple_of3A_254] : memref<10593760xf32, #tpu.memory_space<hbm>> -> memref<2048xf32, #tpu.memory_space<hbm>>
        %dma_wait3A_257 = tpu.memref_slice %arg7[%multiple_of3A_252] : memref<32768xf32, #tpu.memory_space<vmem>> -> memref<2048xf32, #tpu.memory_space<vmem>>
        tpu.wait_dma2 semaphore(%arg17 : memref<!tpu.dma_semaphore, #tpu.memory_space<semaphore_mem>>) src(%dma_wait3A_257 : memref<2048xf32, #tpu.memory_space<vmem>>) dst(%dma_wait3A_256 : memref<2048xf32, #tpu.memory_space<hbm>>)
      } else {
      }
      %convert_element_type3A_176 = arith.extui %and3A_169 : i1 to i32
      %cond3A_177 = arith.constant 0 : i32
      %cond3A_178 = arith.cmpi ne, %convert_element_type3A_176, %cond3A_177 : i32
      scf.if %cond3A_178 {
        %and3A_248 = arith.constant 32767 : i32
        %and3A_249 = arith.andi %scan3A_161, %and3A_248 : i32
        %multiple_of3A_250 = tpu.assume_multiple %and3A_249, 2048 : i32
        %add3A_251 = arith.addi %shift_left3A_59, %scan3A_161 : i32
        %multiple_of3A_252 = tpu.assume_multiple %add3A_251, 16 : i32
        %dma_start3A = tpu.memref_slice %arg7[%multiple_of3A_250] : memref<32768xf32, #tpu.memory_space<vmem>> -> memref<2048xf32, #tpu.memory_space<vmem>>
        %dma_start3A_253 = tpu.memref_slice %arg4[%multiple_of3A_252] : memref<10593760xf32, #tpu.memory_space<hbm>> -> memref<2048xf32, #tpu.memory_space<hbm>>
        %dma_start3A_254 = tpu.memref_slice %arg4[%multiple_of3A_252] : memref<10593760xf32, #tpu.memory_space<hbm>> -> memref<2048xf32, #tpu.memory_space<hbm>>
        %dma_start3A_255 = tpu.memref_slice %arg7[%multiple_of3A_250] : memref<32768xf32, #tpu.memory_space<vmem>> -> memref<2048xf32, #tpu.memory_space<vmem>>
        tpu.enqueue_dma source(%dma_start3A_255 : memref<2048xf32, #tpu.memory_space<vmem>>) target(%dma_start3A_254 : memref<2048xf32, #tpu.memory_space<hbm>>) target_semaphore(%arg17 : memref<!tpu.dma_semaphore, #tpu.memory_space<semaphore_mem>>)
      } else {
      }
      %add3A_179 = arith.constant 2048 : i32
      %add3A_180 = arith.addi %scan3A_161, %add3A_179 : i32
      %select_n3A_181 = arith.select %and3A_169, %add3A_180, %scan3A_161 : i32
      %jit3A_182 = arith.constant 1 : i32
      %select_n3A_183 = arith.select %and3A_169, %jit3A_182, %scan3A_162 : i32
      %add3A_184 = arith.constant 2048 : i32
      %add3A_185 = arith.addi %select_n3A_181, %add3A_184 : i32
      %le3A_186 = arith.cmpi sle, %add3A_185, %scan3A_160 : i32
      %add3A_187 = arith.constant 2048 : i32
      %add3A_188 = arith.addi %select_n3A_181, %add3A_187 : i32
      %le3A_189 = arith.cmpi sle, %add3A_188, %sub3A_68 : i32
      %and3A_190 = arith.andi %le3A_186, %le3A_189 : i1
      %gt3A_191 = arith.constant 0 : i32
      %gt3A_192 = arith.cmpi sgt, %select_n3A_183, %gt3A_191 : i32
      %and3A_193 = arith.andi %and3A_190, %gt3A_192 : i1
      %convert_element_type3A_194 = arith.extui %and3A_193 : i1 to i32
      %cond3A_195 = arith.constant 0 : i32
      %cond3A_196 = arith.cmpi ne, %convert_element_type3A_194, %cond3A_195 : i32
      scf.if %cond3A_196 {
        %sub3A_248 = arith.constant 2048 : i32
        %sub3A_249 = arith.subi %select_n3A_181, %sub3A_248 : i32
        %and3A_250 = arith.constant 32767 : i32
        %and3A_251 = arith.andi %sub3A_249, %and3A_250 : i32
        %multiple_of3A_252 = tpu.assume_multiple %and3A_251, 2048 : i32
        %add3A_253 = arith.addi %shift_left3A_59, %sub3A_249 : i32
        %multiple_of3A_254 = tpu.assume_multiple %add3A_253, 16 : i32
        %dma_wait3A = tpu.memref_slice %arg7[%multiple_of3A_252] : memref<32768xf32, #tpu.memory_space<vmem>> -> memref<2048xf32, #tpu.memory_space<vmem>>
        %dma_wait3A_255 = tpu.memref_slice %arg4[%multiple_of3A_254] : memref<10593760xf32, #tpu.memory_space<hbm>> -> memref<2048xf32, #tpu.memory_space<hbm>>
        %dma_wait3A_256 = tpu.memref_slice %arg4[%multiple_of3A_254] : memref<10593760xf32, #tpu.memory_space<hbm>> -> memref<2048xf32, #tpu.memory_space<hbm>>
        %dma_wait3A_257 = tpu.memref_slice %arg7[%multiple_of3A_252] : memref<32768xf32, #tpu.memory_space<vmem>> -> memref<2048xf32, #tpu.memory_space<vmem>>
        tpu.wait_dma2 semaphore(%arg17 : memref<!tpu.dma_semaphore, #tpu.memory_space<semaphore_mem>>) src(%dma_wait3A_257 : memref<2048xf32, #tpu.memory_space<vmem>>) dst(%dma_wait3A_256 : memref<2048xf32, #tpu.memory_space<hbm>>)
      } else {
      }
      %convert_element_type3A_197 = arith.extui %and3A_190 : i1 to i32
      %cond3A_198 = arith.constant 0 : i32
      %cond3A_199 = arith.cmpi ne, %convert_element_type3A_197, %cond3A_198 : i32
      scf.if %cond3A_199 {
        %and3A_248 = arith.constant 32767 : i32
        %and3A_249 = arith.andi %select_n3A_181, %and3A_248 : i32
        %multiple_of3A_250 = tpu.assume_multiple %and3A_249, 2048 : i32
        %add3A_251 = arith.addi %shift_left3A_59, %select_n3A_181 : i32
        %multiple_of3A_252 = tpu.assume_multiple %add3A_251, 16 : i32
        %dma_start3A = tpu.memref_slice %arg7[%multiple_of3A_250] : memref<32768xf32, #tpu.memory_space<vmem>> -> memref<2048xf32, #tpu.memory_space<vmem>>
        %dma_start3A_253 = tpu.memref_slice %arg4[%multiple_of3A_252] : memref<10593760xf32, #tpu.memory_space<hbm>> -> memref<2048xf32, #tpu.memory_space<hbm>>
        %dma_start3A_254 = tpu.memref_slice %arg4[%multiple_of3A_252] : memref<10593760xf32, #tpu.memory_space<hbm>> -> memref<2048xf32, #tpu.memory_space<hbm>>
        %dma_start3A_255 = tpu.memref_slice %arg7[%multiple_of3A_250] : memref<32768xf32, #tpu.memory_space<vmem>> -> memref<2048xf32, #tpu.memory_space<vmem>>
        tpu.enqueue_dma source(%dma_start3A_255 : memref<2048xf32, #tpu.memory_space<vmem>>) target(%dma_start3A_254 : memref<2048xf32, #tpu.memory_space<hbm>>) target_semaphore(%arg17 : memref<!tpu.dma_semaphore, #tpu.memory_space<semaphore_mem>>)
      } else {
      }
      %add3A_200 = arith.constant 2048 : i32
      %add3A_201 = arith.addi %select_n3A_181, %add3A_200 : i32
      %select_n3A_202 = arith.select %and3A_190, %add3A_201, %select_n3A_181 : i32
      %jit3A_203 = arith.constant 1 : i32
      %select_n3A_204 = arith.select %and3A_190, %jit3A_203, %select_n3A_183 : i32
      %scan3A_205 = arith.constant 0 : i32
      %scan3A_206 = arith.constant 0 : i32
      %scan3A_207 = arith.constant 16 : i32
      %scan3A_208 = arith.addi %scan3A_206, %scan3A_207 : i32
      %scan3A_209 = arith.constant 1 : i32
      %scan3A_210 = scf.for %scan3A_248 = %scan3A_206 to %scan3A_208 step %scan3A_209 iter_args(%scan3A_249 = %scan3A_205) -> (i32)  : i32 {
        %broadcast_in_dim3A_250 = arith.constant 0 : i32
        %broadcast_in_dim3A_251 = vector.broadcast %broadcast_in_dim3A_250 : i32 to vector<16xi32>
        %mul3A_252 = arith.constant 16 : i32
        %mul3A_253 = arith.muli %scan3A_248, %mul3A_252 : i32
        %swap3A = arith.index_cast %mul3A_253 : i32 to index
        %swap3A_254 = tpu.vector_load %arg14[%swap3A] {strides = array<i32>} : memref<256xi32, #tpu.memory_space<vmem>>, vector<16xi32>,
        tpu.vector_store %arg14[%swap3A], %broadcast_in_dim3A_251 {strides = array<i32>} : memref<256xi32, #tpu.memory_space<vmem>>, vector<16xi32>,
        %scan3A_255 = arith.constant 0 : i32
        scf.yield %scan3A_255 : i32
      }
      %scan3A_211 = arith.constant 16 : i32
      %scan3A_212 = arith.constant 0 : i32
      %scan3A_213 = arith.constant 8 : i32
      %scan3A_214 = arith.addi %scan3A_212, %scan3A_213 : i32
      %scan3A_215 = arith.constant 1 : i32
      %scan3A_216 = scf.for %scan3A_248 = %scan3A_212 to %scan3A_214 step %scan3A_215 iter_args(%scan3A_249 = %scan3A_160) -> (i32)  : i32 {
        %mul3A_250 = arith.constant 128 : i32
        %mul3A_251 = arith.muli %scan3A_159, %mul3A_250 : i32
        %add3A_252 = arith.addi %mul3A_74, %mul3A_251 : i32
        %mul3A_253 = arith.constant 16 : i32
        %mul3A_254 = arith.muli %scan3A_248, %mul3A_253 : i32
        %add3A_255 = arith.addi %add3A_252, %mul3A_254 : i32
        %shift_right_arithmetic3A_256 = arith.constant 6 : i32
        %shift_right_arithmetic3A_257 = arith.shrsi %add3A_255, %shift_right_arithmetic3A_256 : i32
        %shift_left3A_258 = arith.constant 4 : i32
        %shift_left3A_259 = arith.shli %shift_right_arithmetic3A_257, %shift_left3A_258 : i32
        %multiple_of3A_260 = tpu.assume_multiple %shift_left3A_259, 16 : i32
        %get3A = arith.index_cast %multiple_of3A_260 : i32 to index
        %get3A_261 = tpu.vector_load %arg5[%get3A] {strides = array<i32>} : memref<26624xi32, #tpu.memory_space<vmem>>, vector<16xi32>,
        %shift_right_arithmetic3A_262 = arith.constant 4 : i32
        %shift_right_arithmetic3A_263 = arith.shrsi %add3A_255, %shift_right_arithmetic3A_262 : i32
        %and3A_264 = arith.constant 3 : i32
        %and3A_265 = arith.andi %shift_right_arithmetic3A_263, %and3A_264 : i32
        %mul3A_266 = arith.constant 8 : i32
        %mul3A_267 = arith.muli %and3A_265, %mul3A_266 : i32
        %shift_right_arithmetic3A_268 = vector.broadcast %mul3A_267 : i32 to vector<16xi32>
        %shift_right_arithmetic3A_269 = arith.shrsi %get3A_261, %shift_right_arithmetic3A_268 : vector<16xi32>
        %and3A_270 = arith.constant 255 : i32
        %and3A_271 = vector.broadcast %and3A_270 : i32 to vector<16xi32>
        %and3A_272 = arith.andi %shift_right_arithmetic3A_269, %and3A_271 : vector<16xi32>
        %broadcast_in_dim3A_273 = arith.constant true
        %broadcast_in_dim3A_274 = vector.broadcast %broadcast_in_dim3A_273 : i1 to vector<16xi1>
        %masked_cumsum3A_275 = tpu.scan <sum>, %and3A_272 masked %broadcast_in_dim3A_274 : vector<16xi32>, vector<16xi1> -> vector<16xi32>
        %add3A_276 = vector.broadcast %scan3A_249 : i32 to vector<16xi32>
        %add3A_277 = arith.addi %add3A_276, %masked_cumsum3A_275 : vector<16xi32>
        %sub3A_278 = arith.subi %add3A_277, %and3A_272 : vector<16xi32>
        %add3A_279 = vector.broadcast %add3A_255 : i32 to vector<16xi32>
        %add3A_280 = arith.addi %add3A_279, %iota3A : vector<16xi32>
        %shift_right_arithmetic3A_281 = arith.constant 12 : i32
        %shift_right_arithmetic3A_282 = vector.broadcast %shift_right_arithmetic3A_281 : i32 to vector<16xi32>
        %shift_right_arithmetic3A_283 = arith.shrsi %add3A_280, %shift_right_arithmetic3A_282 : vector<16xi32>
        %shift_left3A_284 = arith.constant 8 : i32
        %shift_left3A_285 = vector.broadcast %shift_left3A_284 : i32 to vector<16xi32>
        %shift_left3A_286 = arith.shli %shift_right_arithmetic3A_283, %shift_left3A_285 : vector<16xi32>
        %mul3A_287 = arith.constant 16 : i32
        %mul3A_288 = arith.muli %scan3A_248, %mul3A_287 : i32
        %swap3A = arith.index_cast %mul3A_288 : i32 to index
        %swap3A_289 = tpu.vector_load %arg8[%swap3A] {strides = array<i32>} : memref<128xi32, #tpu.memory_space<vmem>>, vector<16xi32>,
        tpu.vector_store %arg8[%swap3A], %and3A_272 {strides = array<i32>} : memref<128xi32, #tpu.memory_space<vmem>>, vector<16xi32>,
        %mul3A_290 = arith.constant 16 : i32
        %mul3A_291 = arith.muli %scan3A_248, %mul3A_290 : i32
        %swap3A_292 = arith.index_cast %mul3A_291 : i32 to index
        %swap3A_293 = tpu.vector_load %arg9[%swap3A_292] {strides = array<i32>} : memref<128xi32, #tpu.memory_space<vmem>>, vector<16xi32>,
        tpu.vector_store %arg9[%swap3A_292], %sub3A_278 {strides = array<i32>} : memref<128xi32, #tpu.memory_space<vmem>>, vector<16xi32>,
        %mul3A_294 = arith.constant 16 : i32
        %mul3A_295 = arith.muli %scan3A_248, %mul3A_294 : i32
        %swap3A_296 = arith.index_cast %mul3A_295 : i32 to index
        %swap3A_297 = tpu.vector_load %arg10[%swap3A_296] {strides = array<i32>} : memref<128xi32, #tpu.memory_space<vmem>>, vector<16xi32>,
        tpu.vector_store %arg10[%swap3A_296], %shift_left3A_286 {strides = array<i32>} : memref<128xi32, #tpu.memory_space<vmem>>, vector<16xi32>,
        %mul3A_298 = arith.constant 16 : i32
        %mul3A_299 = vector.broadcast %mul3A_298 : i32 to vector<16xi32>
        %mul3A_300 = arith.muli %iota3A, %mul3A_299 : vector<16xi32>
        %shift_right_arithmetic3A_301 = arith.constant 4 : i32
        %shift_right_arithmetic3A_302 = vector.broadcast %shift_right_arithmetic3A_301 : i32 to vector<16xi32>
        %shift_right_arithmetic3A_303 = arith.shrsi %and3A_272, %shift_right_arithmetic3A_302 : vector<16xi32>
        %add3A_304 = arith.addi %mul3A_300, %shift_right_arithmetic3A_303 : vector<16xi32>
        tpu.vector_store_idx %arg14[%add3A_304], %broadcast_in_dim3A_29 {add = true} : memref<256xi32, #tpu.memory_space<vmem>>[vector<16xi32>], vector<16xi32>,
        %reduce_max3A = arith.constant true
        %reduce_max3A_305 = vector.broadcast %reduce_max3A : i1 to vector<16xi1>
        %reduce_max3A_306 = arith.constant -2147483648 : i32
        %reduce_max3A_307 = vector.broadcast %reduce_max3A_306 : i32 to vector<16xi32>
        %reduce_max3A_308 = arith.xori %masked_cumsum3A_275, %reduce_max3A_307 : vector<16xi32>
        %reduce_max3A_309 = tpu.scan <max>, %reduce_max3A_308 masked %reduce_max3A_305 : vector<16xi32>, vector<16xi1> -> vector<16xi32>
        %reduce_max3A_310 = arith.xori %reduce_max3A_309, %reduce_max3A_307 : vector<16xi32>
        %reduce_max3A_311 = vector.extract %reduce_max3A_310[15] : i32 from vector<16xi32>
        %add3A_312 = arith.addi %scan3A_249, %reduce_max3A_311 : i32
        scf.yield %add3A_312 : i32
      }
      %scan3A_217 = arith.constant 8 : i32
      %broadcast_in_dim3A_218 = arith.constant 0 : i32
      %broadcast_in_dim3A_219 = vector.broadcast %broadcast_in_dim3A_218 : i32 to vector<16xi32>
      %scan3A_220 = arith.constant 0 : i32
      %scan3A_221 = arith.constant 16 : i32
      %scan3A_222 = arith.addi %scan3A_220, %scan3A_221 : i32
      %scan3A_223 = arith.constant 1 : i32
      %scan3A_224 = scf.for %scan3A_248 = %scan3A_220 to %scan3A_222 step %scan3A_223 iter_args(%scan3A_249 = %broadcast_in_dim3A_219) -> (vector<16xi32>)  : i32 {
        %mul3A_250 = arith.constant 16 : i32
        %mul3A_251 = arith.muli %scan3A_248, %mul3A_250 : i32
        %get3A = arith.index_cast %mul3A_251 : i32 to index
        %get3A_252 = tpu.vector_load %arg14[%get3A] {strides = array<i32>} : memref<256xi32, #tpu.memory_space<vmem>>, vector<16xi32>,
        %add3A_253 = arith.addi %scan3A_249, %get3A_252 : vector<16xi32>
        scf.yield %add3A_253 : vector<16xi32>
      }
      %scan3A_225 = arith.constant 16 : i32
      %broadcast_in_dim3A_226 = arith.constant true
      %broadcast_in_dim3A_227 = vector.broadcast %broadcast_in_dim3A_226 : i1 to vector<16xi1>
      %masked_cumsum3A = tpu.scan <sum>, %scan3A_224 masked %broadcast_in_dim3A_227 : vector<16xi32>, vector<16xi1> -> vector<16xi32>
      %sub3A_228 = arith.subi %masked_cumsum3A, %scan3A_224 : vector<16xi32>
      %scan3A_229 = arith.constant 0 : i32
      %scan3A_230 = arith.constant 16 : i32
      %scan3A_231 = arith.addi %scan3A_229, %scan3A_230 : i32
      %scan3A_232 = arith.constant 1 : i32
      %scan3A_233 = scf.for %scan3A_248 = %scan3A_229 to %scan3A_231 step %scan3A_232 iter_args(%scan3A_249 = %sub3A_228) -> (vector<16xi32>)  : i32 {
        %mul3A_250 = arith.constant 16 : i32
        %mul3A_251 = arith.muli %scan3A_248, %mul3A_250 : i32
        %swap3A = arith.index_cast %mul3A_251 : i32 to index
        %swap3A_252 = tpu.vector_load %arg15[%swap3A] {strides = array<i32>} : memref<256xi32, #tpu.memory_space<vmem>>, vector<16xi32>,
        tpu.vector_store %arg15[%swap3A], %scan3A_249 {strides = array<i32>} : memref<256xi32, #tpu.memory_space<vmem>>, vector<16xi32>,
        %mul3A_253 = arith.constant 16 : i32
        %mul3A_254 = arith.muli %scan3A_248, %mul3A_253 : i32
        %get3A = arith.index_cast %mul3A_254 : i32 to index
        %get3A_255 = tpu.vector_load %arg14[%get3A] {strides = array<i32>} : memref<256xi32, #tpu.memory_space<vmem>>, vector<16xi32>,
        %add3A_256 = arith.addi %scan3A_249, %get3A_255 : vector<16xi32>
        scf.yield %add3A_256 : vector<16xi32>
      }
      %scan3A_234 = arith.constant 16 : i32
      %scan3A_235 = arith.constant 0 : i32
      %scan3A_236 = arith.constant 0 : i32
      %scan3A_237 = arith.constant 8 : i32
      %scan3A_238 = arith.addi %scan3A_236, %scan3A_237 : i32
      %scan3A_239 = arith.constant 1 : i32
      %scan3A_240 = scf.for %scan3A_248 = %scan3A_236 to %scan3A_238 step %scan3A_239 iter_args(%scan3A_249 = %scan3A_235) -> (i32)  : i32 {
        %mul3A_250 = arith.constant 16 : i32
        %mul3A_251 = arith.muli %scan3A_248, %mul3A_250 : i32
        %get3A = arith.index_cast %mul3A_251 : i32 to index
        %get3A_252 = tpu.vector_load %arg8[%get3A] {strides = array<i32>} : memref<128xi32, #tpu.memory_space<vmem>>, vector<16xi32>,
        %mul3A_253 = arith.constant 16 : i32
        %mul3A_254 = vector.broadcast %mul3A_253 : i32 to vector<16xi32>
        %mul3A_255 = arith.muli %iota3A, %mul3A_254 : vector<16xi32>
        %shift_right_arithmetic3A_256 = arith.constant 4 : i32
        %shift_right_arithmetic3A_257 = vector.broadcast %shift_right_arithmetic3A_256 : i32 to vector<16xi32>
        %shift_right_arithmetic3A_258 = arith.shrsi %get3A_252, %shift_right_arithmetic3A_257 : vector<16xi32>
        %add3A_259 = arith.addi %mul3A_255, %shift_right_arithmetic3A_258 : vector<16xi32>
        %gather3A = tpu.vector_load_idx %arg15[%add3A_259] : memref<256xi32, #tpu.memory_space<vmem>>[vector<16xi32>], vector<16xi32>,
        tpu.vector_store_idx %arg15[%add3A_259], %broadcast_in_dim3A_29 {add = true} : memref<256xi32, #tpu.memory_space<vmem>>[vector<16xi32>], vector<16xi32>,
        tpu.vector_store_idx %arg11[%gather3A], %get3A_252 : memref<128xi32, #tpu.memory_space<vmem>>[vector<16xi32>], vector<16xi32>,
        %mul3A_260 = arith.constant 16 : i32
        %mul3A_261 = arith.muli %scan3A_248, %mul3A_260 : i32
        %get3A_262 = arith.index_cast %mul3A_261 : i32 to index
        %get3A_263 = tpu.vector_load %arg9[%get3A_262] {strides = array<i32>} : memref<128xi32, #tpu.memory_space<vmem>>, vector<16xi32>,
        tpu.vector_store_idx %arg12[%gather3A], %get3A_263 : memref<128xi32, #tpu.memory_space<vmem>>[vector<16xi32>], vector<16xi32>,
        %mul3A_264 = arith.constant 16 : i32
        %mul3A_265 = arith.muli %scan3A_248, %mul3A_264 : i32
        %get3A_266 = arith.index_cast %mul3A_265 : i32 to index
        %get3A_267 = tpu.vector_load %arg10[%get3A_266] {strides = array<i32>} : memref<128xi32, #tpu.memory_space<vmem>>, vector<16xi32>,
        tpu.vector_store_idx %arg13[%gather3A], %get3A_267 : memref<128xi32, #tpu.memory_space<vmem>>[vector<16xi32>], vector<16xi32>,
        %scan3A_268 = arith.constant 0 : i32
        scf.yield %scan3A_268 : i32
      }
      %scan3A_241 = arith.constant 8 : i32
      %scan3A_242 = arith.constant 0 : i32
      %scan3A_243 = arith.constant 8 : i32
      %scan3A_244 = arith.addi %scan3A_242, %scan3A_243 : i32
      %scan3A_245 = arith.constant 1 : i32
      %scan3A_246:2 = scf.for %scan3A_248 = %scan3A_242 to %scan3A_244 step %scan3A_245 iter_args(%scan3A_249 = %select_n3A_202, %scan3A_250 = %select_n3A_204) -> (i32, i32)  : i32 {
        %mul3A_251 = arith.constant 16 : i32
        %mul3A_252 = arith.muli %scan3A_248, %mul3A_251 : i32
        %get3A = arith.index_cast %mul3A_252 : i32 to index
        %get3A_253 = tpu.vector_load %arg11[%get3A] {strides = array<i32>} : memref<128xi32, #tpu.memory_space<vmem>>, vector<16xi32>,
        %mul3A_254 = arith.constant 16 : i32
        %mul3A_255 = arith.muli %scan3A_248, %mul3A_254 : i32
        %get3A_256 = arith.index_cast %mul3A_255 : i32 to index
        %get3A_257 = tpu.vector_load %arg12[%get3A_256] {strides = array<i32>} : memref<128xi32, #tpu.memory_space<vmem>>, vector<16xi32>,
        %mul3A_258 = arith.constant 16 : i32
        %mul3A_259 = arith.muli %scan3A_248, %mul3A_258 : i32
        %get3A_260 = arith.index_cast %mul3A_259 : i32 to index
        %get3A_261 = tpu.vector_load %arg13[%get3A_260] {strides = array<i32>} : memref<128xi32, #tpu.memory_space<vmem>>, vector<16xi32>,
        %reduce_max3A = arith.constant true
        %reduce_max3A_262 = vector.broadcast %reduce_max3A : i1 to vector<16xi1>
        %reduce_max3A_263 = arith.constant -2147483648 : i32
        %reduce_max3A_264 = vector.broadcast %reduce_max3A_263 : i32 to vector<16xi32>
        %reduce_max3A_265 = arith.xori %get3A_253, %reduce_max3A_264 : vector<16xi32>
        %reduce_max3A_266 = tpu.scan <max>, %reduce_max3A_265 masked %reduce_max3A_262 : vector<16xi32>, vector<16xi1> -> vector<16xi32>
        %reduce_max3A_267 = arith.xori %reduce_max3A_266, %reduce_max3A_264 : vector<16xi32>
        %reduce_max3A_268 = vector.extract %reduce_max3A_267[15] : i32 from vector<16xi32>
        %parallel_loop3A_269 = arith.constant 0 : i32
        %parallel_loop3A_270 = arith.constant 1 : i32
        scf.for %parallel_loop3A_313 = %parallel_loop3A_269 to %reduce_max3A_268 step %parallel_loop3A_270  : i32 {
          %parallel_loop3A_314 = vector.broadcast %parallel_loop3A_313 : i32 to vector<16xi32>
          %parallel_loop3A_315 = arith.addi %get3A_261, %parallel_loop3A_314 : vector<16xi32>
          %parallel_loop3A_316 = tpu.vector_load_idx %arg6[%parallel_loop3A_315] : memref<6656xf32, #tpu.memory_space<vmem>>[vector<16xi32>], vector<16xf32>,
          %parallel_loop3A_317 = vector.broadcast %parallel_loop3A_313 : i32 to vector<16xi32>
          %parallel_loop3A_318 = arith.addi %get3A_257, %parallel_loop3A_317 : vector<16xi32>
          %parallel_loop3A_319 = arith.constant 32767 : i32
          %parallel_loop3A_320 = vector.broadcast %parallel_loop3A_319 : i32 to vector<16xi32>
          %parallel_loop3A_321 = arith.andi %parallel_loop3A_318, %parallel_loop3A_320 : vector<16xi32>
          %parallel_loop3A_322 = vector.broadcast %parallel_loop3A_313 : i32 to vector<16xi32>
          %parallel_loop3A_323 = arith.cmpi sgt, %get3A_253, %parallel_loop3A_322 : vector<16xi32>
          tpu.vector_store_idx %arg7[%parallel_loop3A_321], %parallel_loop3A_316 masked %parallel_loop3A_323 : memref<32768xf32, #tpu.memory_space<vmem>>[vector<16xi32>], vector<16xf32>, vector<16xi1>
        } {sc.loop_unroll_factor = 4 : i64, sc.parallel_access}
        %add3A_271 = arith.constant 2048 : i32
        %add3A_272 = arith.addi %scan3A_249, %add3A_271 : i32
        %le3A_273 = arith.cmpi sle, %add3A_272, %scan3A_160 : i32
        %add3A_274 = arith.constant 2048 : i32
        %add3A_275 = arith.addi %scan3A_249, %add3A_274 : i32
        %le3A_276 = arith.cmpi sle, %add3A_275, %sub3A_68 : i32
        %and3A_277 = arith.andi %le3A_273, %le3A_276 : i1
        %gt3A_278 = arith.constant 0 : i32
        %gt3A_279 = arith.cmpi sgt, %scan3A_250, %gt3A_278 : i32
        %and3A_280 = arith.andi %and3A_277, %gt3A_279 : i1
        %convert_element_type3A_281 = arith.extui %and3A_280 : i1 to i32
        %cond3A_282 = arith.constant 0 : i32
        %cond3A_283 = arith.cmpi ne, %convert_element_type3A_281, %cond3A_282 : i32
        scf.if %cond3A_283 {
          %sub3A_313 = arith.constant 2048 : i32
          %sub3A_314 = arith.subi %scan3A_249, %sub3A_313 : i32
          %and3A_315 = arith.constant 32767 : i32
          %and3A_316 = arith.andi %sub3A_314, %and3A_315 : i32
          %multiple_of3A_317 = tpu.assume_multiple %and3A_316, 2048 : i32
          %add3A_318 = arith.addi %shift_left3A_59, %sub3A_314 : i32
          %multiple_of3A_319 = tpu.assume_multiple %add3A_318, 16 : i32
          %dma_wait3A = tpu.memref_slice %arg7[%multiple_of3A_317] : memref<32768xf32, #tpu.memory_space<vmem>> -> memref<2048xf32, #tpu.memory_space<vmem>>
          %dma_wait3A_320 = tpu.memref_slice %arg4[%multiple_of3A_319] : memref<10593760xf32, #tpu.memory_space<hbm>> -> memref<2048xf32, #tpu.memory_space<hbm>>
          %dma_wait3A_321 = tpu.memref_slice %arg4[%multiple_of3A_319] : memref<10593760xf32, #tpu.memory_space<hbm>> -> memref<2048xf32, #tpu.memory_space<hbm>>
          %dma_wait3A_322 = tpu.memref_slice %arg7[%multiple_of3A_317] : memref<32768xf32, #tpu.memory_space<vmem>> -> memref<2048xf32, #tpu.memory_space<vmem>>
          tpu.wait_dma2 semaphore(%arg17 : memref<!tpu.dma_semaphore, #tpu.memory_space<semaphore_mem>>) src(%dma_wait3A_322 : memref<2048xf32, #tpu.memory_space<vmem>>) dst(%dma_wait3A_321 : memref<2048xf32, #tpu.memory_space<hbm>>)
        } else {
        }
        %convert_element_type3A_284 = arith.extui %and3A_277 : i1 to i32
        %cond3A_285 = arith.constant 0 : i32
        %cond3A_286 = arith.cmpi ne, %convert_element_type3A_284, %cond3A_285 : i32
        scf.if %cond3A_286 {
          %and3A_313 = arith.constant 32767 : i32
          %and3A_314 = arith.andi %scan3A_249, %and3A_313 : i32
          %multiple_of3A_315 = tpu.assume_multiple %and3A_314, 2048 : i32
          %add3A_316 = arith.addi %shift_left3A_59, %scan3A_249 : i32
          %multiple_of3A_317 = tpu.assume_multiple %add3A_316, 16 : i32
          %dma_start3A = tpu.memref_slice %arg7[%multiple_of3A_315] : memref<32768xf32, #tpu.memory_space<vmem>> -> memref<2048xf32, #tpu.memory_space<vmem>>
          %dma_start3A_318 = tpu.memref_slice %arg4[%multiple_of3A_317] : memref<10593760xf32, #tpu.memory_space<hbm>> -> memref<2048xf32, #tpu.memory_space<hbm>>
          %dma_start3A_319 = tpu.memref_slice %arg4[%multiple_of3A_317] : memref<10593760xf32, #tpu.memory_space<hbm>> -> memref<2048xf32, #tpu.memory_space<hbm>>
          %dma_start3A_320 = tpu.memref_slice %arg7[%multiple_of3A_315] : memref<32768xf32, #tpu.memory_space<vmem>> -> memref<2048xf32, #tpu.memory_space<vmem>>
          tpu.enqueue_dma source(%dma_start3A_320 : memref<2048xf32, #tpu.memory_space<vmem>>) target(%dma_start3A_319 : memref<2048xf32, #tpu.memory_space<hbm>>) target_semaphore(%arg17 : memref<!tpu.dma_semaphore, #tpu.memory_space<semaphore_mem>>)
        } else {
        }
        %add3A_287 = arith.constant 2048 : i32
        %add3A_288 = arith.addi %scan3A_249, %add3A_287 : i32
        %select_n3A_289 = arith.select %and3A_277, %add3A_288, %scan3A_249 : i32
        %jit3A_290 = arith.constant 1 : i32
        %select_n3A_291 = arith.select %and3A_277, %jit3A_290, %scan3A_250 : i32
        %add3A_292 = arith.constant 2048 : i32
        %add3A_293 = arith.addi %select_n3A_289, %add3A_292 : i32
        %le3A_294 = arith.cmpi sle, %add3A_293, %scan3A_160 : i32
        %add3A_295 = arith.constant 2048 : i32
        %add3A_296 = arith.addi %select_n3A_289, %add3A_295 : i32
        %le3A_297 = arith.cmpi sle, %add3A_296, %sub3A_68 : i32
        %and3A_298 = arith.andi %le3A_294, %le3A_297 : i1
        %gt3A_299 = arith.constant 0 : i32
        %gt3A_300 = arith.cmpi sgt, %select_n3A_291, %gt3A_299 : i32
        %and3A_301 = arith.andi %and3A_298, %gt3A_300 : i1
        %convert_element_type3A_302 = arith.extui %and3A_301 : i1 to i32
        %cond3A_303 = arith.constant 0 : i32
        %cond3A_304 = arith.cmpi ne, %convert_element_type3A_302, %cond3A_303 : i32
        scf.if %cond3A_304 {
          %sub3A_313 = arith.constant 2048 : i32
          %sub3A_314 = arith.subi %select_n3A_289, %sub3A_313 : i32
          %and3A_315 = arith.constant 32767 : i32
          %and3A_316 = arith.andi %sub3A_314, %and3A_315 : i32
          %multiple_of3A_317 = tpu.assume_multiple %and3A_316, 2048 : i32
          %add3A_318 = arith.addi %shift_left3A_59, %sub3A_314 : i32
          %multiple_of3A_319 = tpu.assume_multiple %add3A_318, 16 : i32
          %dma_wait3A = tpu.memref_slice %arg7[%multiple_of3A_317] : memref<32768xf32, #tpu.memory_space<vmem>> -> memref<2048xf32, #tpu.memory_space<vmem>>
          %dma_wait3A_320 = tpu.memref_slice %arg4[%multiple_of3A_319] : memref<10593760xf32, #tpu.memory_space<hbm>> -> memref<2048xf32, #tpu.memory_space<hbm>>
          %dma_wait3A_321 = tpu.memref_slice %arg4[%multiple_of3A_319] : memref<10593760xf32, #tpu.memory_space<hbm>> -> memref<2048xf32, #tpu.memory_space<hbm>>
          %dma_wait3A_322 = tpu.memref_slice %arg7[%multiple_of3A_317] : memref<32768xf32, #tpu.memory_space<vmem>> -> memref<2048xf32, #tpu.memory_space<vmem>>
          tpu.wait_dma2 semaphore(%arg17 : memref<!tpu.dma_semaphore, #tpu.memory_space<semaphore_mem>>) src(%dma_wait3A_322 : memref<2048xf32, #tpu.memory_space<vmem>>) dst(%dma_wait3A_321 : memref<2048xf32, #tpu.memory_space<hbm>>)
        } else {
        }
        %convert_element_type3A_305 = arith.extui %and3A_298 : i1 to i32
        %cond3A_306 = arith.constant 0 : i32
        %cond3A_307 = arith.cmpi ne, %convert_element_type3A_305, %cond3A_306 : i32
        scf.if %cond3A_307 {
          %and3A_313 = arith.constant 32767 : i32
          %and3A_314 = arith.andi %select_n3A_289, %and3A_313 : i32
          %multiple_of3A_315 = tpu.assume_multiple %and3A_314, 2048 : i32
          %add3A_316 = arith.addi %shift_left3A_59, %select_n3A_289 : i32
          %multiple_of3A_317 = tpu.assume_multiple %add3A_316, 16 : i32
          %dma_start3A = tpu.memref_slice %arg7[%multiple_of3A_315] : memref<32768xf32, #tpu.memory_space<vmem>> -> memref<2048xf32, #tpu.memory_space<vmem>>
          %dma_start3A_318 = tpu.memref_slice %arg4[%multiple_of3A_317] : memref<10593760xf32, #tpu.memory_space<hbm>> -> memref<2048xf32, #tpu.memory_space<hbm>>
          %dma_start3A_319 = tpu.memref_slice %arg4[%multiple_of3A_317] : memref<10593760xf32, #tpu.memory_space<hbm>> -> memref<2048xf32, #tpu.memory_space<hbm>>
          %dma_start3A_320 = tpu.memref_slice %arg7[%multiple_of3A_315] : memref<32768xf32, #tpu.memory_space<vmem>> -> memref<2048xf32, #tpu.memory_space<vmem>>
          tpu.enqueue_dma source(%dma_start3A_320 : memref<2048xf32, #tpu.memory_space<vmem>>) target(%dma_start3A_319 : memref<2048xf32, #tpu.memory_space<hbm>>) target_semaphore(%arg17 : memref<!tpu.dma_semaphore, #tpu.memory_space<semaphore_mem>>)
        } else {
        }
        %add3A_308 = arith.constant 2048 : i32
        %add3A_309 = arith.addi %select_n3A_289, %add3A_308 : i32
        %select_n3A_310 = arith.select %and3A_298, %add3A_309, %select_n3A_289 : i32
        %jit3A_311 = arith.constant 1 : i32
        %select_n3A_312 = arith.select %and3A_298, %jit3A_311, %select_n3A_291 : i32
        scf.yield %select_n3A_310, %select_n3A_312 : i32, i32
      }
      %scan3A_247 = arith.constant 8 : i32
      scf.yield %scan3A_216, %scan3A_246#0, %scan3A_246#1 : i32, i32, i32
    }
    %scan3A_81 = arith.constant 26 : i32
    %gt3A = arith.constant 0 : i32
    %gt3A_82 = arith.cmpi sgt, %scan3A_80#2, %gt3A : i32
    %convert_element_type3A = arith.extui %gt3A_82 : i1 to i32
    %cond3A = arith.constant 0 : i32
    %cond3A_83 = arith.cmpi ne, %convert_element_type3A, %cond3A : i32
    scf.if %cond3A_83 {
      %sub3A_159 = arith.constant 2048 : i32
      %sub3A_160 = arith.subi %scan3A_80#1, %sub3A_159 : i32
      %and3A_161 = arith.constant 32767 : i32
      %and3A_162 = arith.andi %sub3A_160, %and3A_161 : i32
      %multiple_of3A_163 = tpu.assume_multiple %and3A_162, 2048 : i32
      %add3A_164 = arith.addi %shift_left3A_59, %sub3A_160 : i32
      %multiple_of3A_165 = tpu.assume_multiple %add3A_164, 16 : i32
      %dma_wait3A = tpu.memref_slice %arg7[%multiple_of3A_163] : memref<32768xf32, #tpu.memory_space<vmem>> -> memref<2048xf32, #tpu.memory_space<vmem>>
      %dma_wait3A_166 = tpu.memref_slice %arg4[%multiple_of3A_165] : memref<10593760xf32, #tpu.memory_space<hbm>> -> memref<2048xf32, #tpu.memory_space<hbm>>
      %dma_wait3A_167 = tpu.memref_slice %arg4[%multiple_of3A_165] : memref<10593760xf32, #tpu.memory_space<hbm>> -> memref<2048xf32, #tpu.memory_space<hbm>>
      %dma_wait3A_168 = tpu.memref_slice %arg7[%multiple_of3A_163] : memref<32768xf32, #tpu.memory_space<vmem>> -> memref<2048xf32, #tpu.memory_space<vmem>>
      tpu.wait_dma2 semaphore(%arg17 : memref<!tpu.dma_semaphore, #tpu.memory_space<semaphore_mem>>) src(%dma_wait3A_168 : memref<2048xf32, #tpu.memory_space<vmem>>) dst(%dma_wait3A_167 : memref<2048xf32, #tpu.memory_space<hbm>>)
    } else {
    }
    %scan3A_84 = arith.constant 0 : i32
    %scan3A_85 = arith.constant 17 : i32
    %scan3A_86 = arith.addi %scan3A_84, %scan3A_85 : i32
    %scan3A_87 = arith.constant 1 : i32
    %scan3A_88 = scf.for %scan3A_159 = %scan3A_84 to %scan3A_86 step %scan3A_87 iter_args(%scan3A_160 = %scan3A_80#1) -> (i32)  : i32 {
      %sub3A_161 = arith.subi %sub3A_68, %scan3A_160 : i32
      %ge3A = arith.constant 2048 : i32
      %ge3A_162 = arith.cmpi sge, %sub3A_161, %ge3A : i32
      %convert_element_type3A_163 = arith.extui %ge3A_162 : i1 to i32
      %cond3A_164 = arith.constant 0 : i32
      %cond3A_165 = arith.cmpi ne, %convert_element_type3A_163, %cond3A_164 : i32
      scf.if %cond3A_165 {
        %and3A_169 = arith.constant 32767 : i32
        %and3A_170 = arith.andi %scan3A_160, %and3A_169 : i32
        %multiple_of3A_171 = tpu.assume_multiple %and3A_170, 2048 : i32
        %add3A_172 = arith.addi %shift_left3A_59, %scan3A_160 : i32
        %multiple_of3A_173 = tpu.assume_multiple %add3A_172, 16 : i32
        "tpu.region"() ({
          %run_scoped3A = tpu.sem_alloc : memref<!tpu.dma_semaphore, #tpu.memory_space<semaphore_mem>>
          %dma_start3A = tpu.memref_slice %arg7[%multiple_of3A_171] : memref<32768xf32, #tpu.memory_space<vmem>> -> memref<2048xf32, #tpu.memory_space<vmem>>
          %dma_start3A_174 = tpu.memref_slice %arg4[%multiple_of3A_173] : memref<10593760xf32, #tpu.memory_space<hbm>> -> memref<2048xf32, #tpu.memory_space<hbm>>
          %dma_start3A_175 = tpu.memref_slice %arg4[%multiple_of3A_173] : memref<10593760xf32, #tpu.memory_space<hbm>> -> memref<2048xf32, #tpu.memory_space<hbm>>
          %dma_start3A_176 = tpu.memref_slice %arg7[%multiple_of3A_171] : memref<32768xf32, #tpu.memory_space<vmem>> -> memref<2048xf32, #tpu.memory_space<vmem>>
          tpu.enqueue_dma source(%dma_start3A_176 : memref<2048xf32, #tpu.memory_space<vmem>>) target(%dma_start3A_175 : memref<2048xf32, #tpu.memory_space<hbm>>) target_semaphore(%run_scoped3A : memref<!tpu.dma_semaphore, #tpu.memory_space<semaphore_mem>>)
          %dma_wait3A = tpu.memref_slice %arg7[%multiple_of3A_171] : memref<32768xf32, #tpu.memory_space<vmem>> -> memref<2048xf32, #tpu.memory_space<vmem>>
          %dma_wait3A_177 = tpu.memref_slice %arg4[%multiple_of3A_173] : memref<10593760xf32, #tpu.memory_space<hbm>> -> memref<2048xf32, #tpu.memory_space<hbm>>
          %dma_wait3A_178 = tpu.memref_slice %arg4[%multiple_of3A_173] : memref<10593760xf32, #tpu.memory_space<hbm>> -> memref<2048xf32, #tpu.memory_space<hbm>>
          %dma_wait3A_179 = tpu.memref_slice %arg7[%multiple_of3A_171] : memref<32768xf32, #tpu.memory_space<vmem>> -> memref<2048xf32, #tpu.memory_space<vmem>>
          tpu.wait_dma2 semaphore(%run_scoped3A : memref<!tpu.dma_semaphore, #tpu.memory_space<semaphore_mem>>) src(%dma_wait3A_179 : memref<2048xf32, #tpu.memory_space<vmem>>) dst(%dma_wait3A_178 : memref<2048xf32, #tpu.memory_space<hbm>>)
          tpu.yield
        }) : () -> ()
      } else {
      }
      %add3A_166 = arith.constant 2048 : i32
      %add3A_167 = arith.addi %scan3A_160, %add3A_166 : i32
      %select_n3A_168 = arith.select %ge3A_162, %add3A_167, %scan3A_160 : i32
      scf.yield %select_n3A_168 : i32
    }
    %scan3A_89 = arith.constant 17 : i32
    %sub3A_90 = arith.subi %sub3A_68, %scan3A_88 : i32
    %and3A = arith.constant 1024 : i32
    %and3A_91 = arith.andi %sub3A_90, %and3A : i32
    %ne3A = arith.constant 0 : i32
    %ne3A_92 = arith.cmpi ne, %and3A_91, %ne3A : i32
    %convert_element_type3A_93 = arith.extui %ne3A_92 : i1 to i32
    %cond3A_94 = arith.constant 0 : i32
    %cond3A_95 = arith.cmpi ne, %convert_element_type3A_93, %cond3A_94 : i32
    scf.if %cond3A_95 {
      %and3A_159 = arith.constant 32767 : i32
      %and3A_160 = arith.andi %scan3A_88, %and3A_159 : i32
      %multiple_of3A_161 = tpu.assume_multiple %and3A_160, 16 : i32
      %add3A_162 = arith.addi %shift_left3A_59, %scan3A_88 : i32
      %multiple_of3A_163 = tpu.assume_multiple %add3A_162, 16 : i32
      "tpu.region"() ({
        %run_scoped3A = tpu.sem_alloc : memref<!tpu.dma_semaphore, #tpu.memory_space<semaphore_mem>>
        %dma_start3A = tpu.memref_slice %arg7[%multiple_of3A_161] : memref<32768xf32, #tpu.memory_space<vmem>> -> memref<1024xf32, #tpu.memory_space<vmem>>
        %dma_start3A_164 = tpu.memref_slice %arg4[%multiple_of3A_163] : memref<10593760xf32, #tpu.memory_space<hbm>> -> memref<1024xf32, #tpu.memory_space<hbm>>
        %dma_start3A_165 = tpu.memref_slice %arg4[%multiple_of3A_163] : memref<10593760xf32, #tpu.memory_space<hbm>> -> memref<1024xf32, #tpu.memory_space<hbm>>
        %dma_start3A_166 = tpu.memref_slice %arg7[%multiple_of3A_161] : memref<32768xf32, #tpu.memory_space<vmem>> -> memref<1024xf32, #tpu.memory_space<vmem>>
        tpu.enqueue_dma source(%dma_start3A_166 : memref<1024xf32, #tpu.memory_space<vmem>>) target(%dma_start3A_165 : memref<1024xf32, #tpu.memory_space<hbm>>) target_semaphore(%run_scoped3A : memref<!tpu.dma_semaphore, #tpu.memory_space<semaphore_mem>>)
        %dma_wait3A = tpu.memref_slice %arg7[%multiple_of3A_161] : memref<32768xf32, #tpu.memory_space<vmem>> -> memref<1024xf32, #tpu.memory_space<vmem>>
        %dma_wait3A_167 = tpu.memref_slice %arg4[%multiple_of3A_163] : memref<10593760xf32, #tpu.memory_space<hbm>> -> memref<1024xf32, #tpu.memory_space<hbm>>
        %dma_wait3A_168 = tpu.memref_slice %arg4[%multiple_of3A_163] : memref<10593760xf32, #tpu.memory_space<hbm>> -> memref<1024xf32, #tpu.memory_space<hbm>>
        %dma_wait3A_169 = tpu.memref_slice %arg7[%multiple_of3A_161] : memref<32768xf32, #tpu.memory_space<vmem>> -> memref<1024xf32, #tpu.memory_space<vmem>>
        tpu.wait_dma2 semaphore(%run_scoped3A : memref<!tpu.dma_semaphore, #tpu.memory_space<semaphore_mem>>) src(%dma_wait3A_169 : memref<1024xf32, #tpu.memory_space<vmem>>) dst(%dma_wait3A_168 : memref<1024xf32, #tpu.memory_space<hbm>>)
        tpu.yield
      }) : () -> ()
    } else {
    }
    %add3A_96 = arith.constant 1024 : i32
    %add3A_97 = arith.addi %scan3A_88, %add3A_96 : i32
    %select_n3A_98 = arith.select %ne3A_92, %add3A_97, %scan3A_88 : i32
    %and3A_99 = arith.constant 512 : i32
    %and3A_100 = arith.andi %sub3A_90, %and3A_99 : i32
    %ne3A_101 = arith.constant 0 : i32
    %ne3A_102 = arith.cmpi ne, %and3A_100, %ne3A_101 : i32
    %convert_element_type3A_103 = arith.extui %ne3A_102 : i1 to i32
    %cond3A_104 = arith.constant 0 : i32
    %cond3A_105 = arith.cmpi ne, %convert_element_type3A_103, %cond3A_104 : i32
    scf.if %cond3A_105 {
      %and3A_159 = arith.constant 32767 : i32
      %and3A_160 = arith.andi %select_n3A_98, %and3A_159 : i32
      %multiple_of3A_161 = tpu.assume_multiple %and3A_160, 16 : i32
      %add3A_162 = arith.addi %shift_left3A_59, %select_n3A_98 : i32
      %multiple_of3A_163 = tpu.assume_multiple %add3A_162, 16 : i32
      "tpu.region"() ({
        %run_scoped3A = tpu.sem_alloc : memref<!tpu.dma_semaphore, #tpu.memory_space<semaphore_mem>>
        %dma_start3A = tpu.memref_slice %arg7[%multiple_of3A_161] : memref<32768xf32, #tpu.memory_space<vmem>> -> memref<512xf32, #tpu.memory_space<vmem>>
        %dma_start3A_164 = tpu.memref_slice %arg4[%multiple_of3A_163] : memref<10593760xf32, #tpu.memory_space<hbm>> -> memref<512xf32, #tpu.memory_space<hbm>>
        %dma_start3A_165 = tpu.memref_slice %arg4[%multiple_of3A_163] : memref<10593760xf32, #tpu.memory_space<hbm>> -> memref<512xf32, #tpu.memory_space<hbm>>
        %dma_start3A_166 = tpu.memref_slice %arg7[%multiple_of3A_161] : memref<32768xf32, #tpu.memory_space<vmem>> -> memref<512xf32, #tpu.memory_space<vmem>>
        tpu.enqueue_dma source(%dma_start3A_166 : memref<512xf32, #tpu.memory_space<vmem>>) target(%dma_start3A_165 : memref<512xf32, #tpu.memory_space<hbm>>) target_semaphore(%run_scoped3A : memref<!tpu.dma_semaphore, #tpu.memory_space<semaphore_mem>>)
        %dma_wait3A = tpu.memref_slice %arg7[%multiple_of3A_161] : memref<32768xf32, #tpu.memory_space<vmem>> -> memref<512xf32, #tpu.memory_space<vmem>>
        %dma_wait3A_167 = tpu.memref_slice %arg4[%multiple_of3A_163] : memref<10593760xf32, #tpu.memory_space<hbm>> -> memref<512xf32, #tpu.memory_space<hbm>>
        %dma_wait3A_168 = tpu.memref_slice %arg4[%multiple_of3A_163] : memref<10593760xf32, #tpu.memory_space<hbm>> -> memref<512xf32, #tpu.memory_space<hbm>>
        %dma_wait3A_169 = tpu.memref_slice %arg7[%multiple_of3A_161] : memref<32768xf32, #tpu.memory_space<vmem>> -> memref<512xf32, #tpu.memory_space<vmem>>
        tpu.wait_dma2 semaphore(%run_scoped3A : memref<!tpu.dma_semaphore, #tpu.memory_space<semaphore_mem>>) src(%dma_wait3A_169 : memref<512xf32, #tpu.memory_space<vmem>>) dst(%dma_wait3A_168 : memref<512xf32, #tpu.memory_space<hbm>>)
        tpu.yield
      }) : () -> ()
    } else {
    }
    %add3A_106 = arith.constant 512 : i32
    %add3A_107 = arith.addi %select_n3A_98, %add3A_106 : i32
    %select_n3A_108 = arith.select %ne3A_102, %add3A_107, %select_n3A_98 : i32
    %and3A_109 = arith.constant 256 : i32
    %and3A_110 = arith.andi %sub3A_90, %and3A_109 : i32
    %ne3A_111 = arith.constant 0 : i32
    %ne3A_112 = arith.cmpi ne, %and3A_110, %ne3A_111 : i32
    %convert_element_type3A_113 = arith.extui %ne3A_112 : i1 to i32
    %cond3A_114 = arith.constant 0 : i32
    %cond3A_115 = arith.cmpi ne, %convert_element_type3A_113, %cond3A_114 : i32
    scf.if %cond3A_115 {
      %and3A_159 = arith.constant 32767 : i32
      %and3A_160 = arith.andi %select_n3A_108, %and3A_159 : i32
      %multiple_of3A_161 = tpu.assume_multiple %and3A_160, 16 : i32
      %add3A_162 = arith.addi %shift_left3A_59, %select_n3A_108 : i32
      %multiple_of3A_163 = tpu.assume_multiple %add3A_162, 16 : i32
      "tpu.region"() ({
        %run_scoped3A = tpu.sem_alloc : memref<!tpu.dma_semaphore, #tpu.memory_space<semaphore_mem>>
        %dma_start3A = tpu.memref_slice %arg7[%multiple_of3A_161] : memref<32768xf32, #tpu.memory_space<vmem>> -> memref<256xf32, #tpu.memory_space<vmem>>
        %dma_start3A_164 = tpu.memref_slice %arg4[%multiple_of3A_163] : memref<10593760xf32, #tpu.memory_space<hbm>> -> memref<256xf32, #tpu.memory_space<hbm>>
        %dma_start3A_165 = tpu.memref_slice %arg4[%multiple_of3A_163] : memref<10593760xf32, #tpu.memory_space<hbm>> -> memref<256xf32, #tpu.memory_space<hbm>>
        %dma_start3A_166 = tpu.memref_slice %arg7[%multiple_of3A_161] : memref<32768xf32, #tpu.memory_space<vmem>> -> memref<256xf32, #tpu.memory_space<vmem>>
        tpu.enqueue_dma source(%dma_start3A_166 : memref<256xf32, #tpu.memory_space<vmem>>) target(%dma_start3A_165 : memref<256xf32, #tpu.memory_space<hbm>>) target_semaphore(%run_scoped3A : memref<!tpu.dma_semaphore, #tpu.memory_space<semaphore_mem>>)
        %dma_wait3A = tpu.memref_slice %arg7[%multiple_of3A_161] : memref<32768xf32, #tpu.memory_space<vmem>> -> memref<256xf32, #tpu.memory_space<vmem>>
        %dma_wait3A_167 = tpu.memref_slice %arg4[%multiple_of3A_163] : memref<10593760xf32, #tpu.memory_space<hbm>> -> memref<256xf32, #tpu.memory_space<hbm>>
        %dma_wait3A_168 = tpu.memref_slice %arg4[%multiple_of3A_163] : memref<10593760xf32, #tpu.memory_space<hbm>> -> memref<256xf32, #tpu.memory_space<hbm>>
        %dma_wait3A_169 = tpu.memref_slice %arg7[%multiple_of3A_161] : memref<32768xf32, #tpu.memory_space<vmem>> -> memref<256xf32, #tpu.memory_space<vmem>>
        tpu.wait_dma2 semaphore(%run_scoped3A : memref<!tpu.dma_semaphore, #tpu.memory_space<semaphore_mem>>) src(%dma_wait3A_169 : memref<256xf32, #tpu.memory_space<vmem>>) dst(%dma_wait3A_168 : memref<256xf32, #tpu.memory_space<hbm>>)
        tpu.yield
      }) : () -> ()
    } else {
    }
    %add3A_116 = arith.constant 256 : i32
    %add3A_117 = arith.addi %select_n3A_108, %add3A_116 : i32
    %select_n3A_118 = arith.select %ne3A_112, %add3A_117, %select_n3A_108 : i32
    %and3A_119 = arith.constant 128 : i32
    %and3A_120 = arith.andi %sub3A_90, %and3A_119 : i32
    %ne3A_121 = arith.constant 0 : i32
    %ne3A_122 = arith.cmpi ne, %and3A_120, %ne3A_121 : i32
    %convert_element_type3A_123 = arith.extui %ne3A_122 : i1 to i32
    %cond3A_124 = arith.constant 0 : i32
    %cond3A_125 = arith.cmpi ne, %convert_element_type3A_123, %cond3A_124 : i32
    scf.if %cond3A_125 {
      %and3A_159 = arith.constant 32767 : i32
      %and3A_160 = arith.andi %select_n3A_118, %and3A_159 : i32
      %multiple_of3A_161 = tpu.assume_multiple %and3A_160, 16 : i32
      %add3A_162 = arith.addi %shift_left3A_59, %select_n3A_118 : i32
      %multiple_of3A_163 = tpu.assume_multiple %add3A_162, 16 : i32
      "tpu.region"() ({
        %run_scoped3A = tpu.sem_alloc : memref<!tpu.dma_semaphore, #tpu.memory_space<semaphore_mem>>
        %dma_start3A = tpu.memref_slice %arg7[%multiple_of3A_161] : memref<32768xf32, #tpu.memory_space<vmem>> -> memref<128xf32, #tpu.memory_space<vmem>>
        %dma_start3A_164 = tpu.memref_slice %arg4[%multiple_of3A_163] : memref<10593760xf32, #tpu.memory_space<hbm>> -> memref<128xf32, #tpu.memory_space<hbm>>
        %dma_start3A_165 = tpu.memref_slice %arg4[%multiple_of3A_163] : memref<10593760xf32, #tpu.memory_space<hbm>> -> memref<128xf32, #tpu.memory_space<hbm>>
        %dma_start3A_166 = tpu.memref_slice %arg7[%multiple_of3A_161] : memref<32768xf32, #tpu.memory_space<vmem>> -> memref<128xf32, #tpu.memory_space<vmem>>
        tpu.enqueue_dma source(%dma_start3A_166 : memref<128xf32, #tpu.memory_space<vmem>>) target(%dma_start3A_165 : memref<128xf32, #tpu.memory_space<hbm>>) target_semaphore(%run_scoped3A : memref<!tpu.dma_semaphore, #tpu.memory_space<semaphore_mem>>)
        %dma_wait3A = tpu.memref_slice %arg7[%multiple_of3A_161] : memref<32768xf32, #tpu.memory_space<vmem>> -> memref<128xf32, #tpu.memory_space<vmem>>
        %dma_wait3A_167 = tpu.memref_slice %arg4[%multiple_of3A_163] : memref<10593760xf32, #tpu.memory_space<hbm>> -> memref<128xf32, #tpu.memory_space<hbm>>
        %dma_wait3A_168 = tpu.memref_slice %arg4[%multiple_of3A_163] : memref<10593760xf32, #tpu.memory_space<hbm>> -> memref<128xf32, #tpu.memory_space<hbm>>
        %dma_wait3A_169 = tpu.memref_slice %arg7[%multiple_of3A_161] : memref<32768xf32, #tpu.memory_space<vmem>> -> memref<128xf32, #tpu.memory_space<vmem>>
        tpu.wait_dma2 semaphore(%run_scoped3A : memref<!tpu.dma_semaphore, #tpu.memory_space<semaphore_mem>>) src(%dma_wait3A_169 : memref<128xf32, #tpu.memory_space<vmem>>) dst(%dma_wait3A_168 : memref<128xf32, #tpu.memory_space<hbm>>)
        tpu.yield
      }) : () -> ()
    } else {
    }
    %add3A_126 = arith.constant 128 : i32
    %add3A_127 = arith.addi %select_n3A_118, %add3A_126 : i32
    %select_n3A_128 = arith.select %ne3A_122, %add3A_127, %select_n3A_118 : i32
    %and3A_129 = arith.constant 64 : i32
    %and3A_130 = arith.andi %sub3A_90, %and3A_129 : i32
    %ne3A_131 = arith.constant 0 : i32
    %ne3A_132 = arith.cmpi ne, %and3A_130, %ne3A_131 : i32
    %convert_element_type3A_133 = arith.extui %ne3A_132 : i1 to i32
    %cond3A_134 = arith.constant 0 : i32
    %cond3A_135 = arith.cmpi ne, %convert_element_type3A_133, %cond3A_134 : i32
    scf.if %cond3A_135 {
      %and3A_159 = arith.constant 32767 : i32
      %and3A_160 = arith.andi %select_n3A_128, %and3A_159 : i32
      %multiple_of3A_161 = tpu.assume_multiple %and3A_160, 16 : i32
      %add3A_162 = arith.addi %shift_left3A_59, %select_n3A_128 : i32
      %multiple_of3A_163 = tpu.assume_multiple %add3A_162, 16 : i32
      "tpu.region"() ({
        %run_scoped3A = tpu.sem_alloc : memref<!tpu.dma_semaphore, #tpu.memory_space<semaphore_mem>>
        %dma_start3A = tpu.memref_slice %arg7[%multiple_of3A_161] : memref<32768xf32, #tpu.memory_space<vmem>> -> memref<64xf32, #tpu.memory_space<vmem>>
        %dma_start3A_164 = tpu.memref_slice %arg4[%multiple_of3A_163] : memref<10593760xf32, #tpu.memory_space<hbm>> -> memref<64xf32, #tpu.memory_space<hbm>>
        %dma_start3A_165 = tpu.memref_slice %arg4[%multiple_of3A_163] : memref<10593760xf32, #tpu.memory_space<hbm>> -> memref<64xf32, #tpu.memory_space<hbm>>
        %dma_start3A_166 = tpu.memref_slice %arg7[%multiple_of3A_161] : memref<32768xf32, #tpu.memory_space<vmem>> -> memref<64xf32, #tpu.memory_space<vmem>>
        tpu.enqueue_dma source(%dma_start3A_166 : memref<64xf32, #tpu.memory_space<vmem>>) target(%dma_start3A_165 : memref<64xf32, #tpu.memory_space<hbm>>) target_semaphore(%run_scoped3A : memref<!tpu.dma_semaphore, #tpu.memory_space<semaphore_mem>>)
        %dma_wait3A = tpu.memref_slice %arg7[%multiple_of3A_161] : memref<32768xf32, #tpu.memory_space<vmem>> -> memref<64xf32, #tpu.memory_space<vmem>>
        %dma_wait3A_167 = tpu.memref_slice %arg4[%multiple_of3A_163] : memref<10593760xf32, #tpu.memory_space<hbm>> -> memref<64xf32, #tpu.memory_space<hbm>>
        %dma_wait3A_168 = tpu.memref_slice %arg4[%multiple_of3A_163] : memref<10593760xf32, #tpu.memory_space<hbm>> -> memref<64xf32, #tpu.memory_space<hbm>>
        %dma_wait3A_169 = tpu.memref_slice %arg7[%multiple_of3A_161] : memref<32768xf32, #tpu.memory_space<vmem>> -> memref<64xf32, #tpu.memory_space<vmem>>
        tpu.wait_dma2 semaphore(%run_scoped3A : memref<!tpu.dma_semaphore, #tpu.memory_space<semaphore_mem>>) src(%dma_wait3A_169 : memref<64xf32, #tpu.memory_space<vmem>>) dst(%dma_wait3A_168 : memref<64xf32, #tpu.memory_space<hbm>>)
        tpu.yield
      }) : () -> ()
    } else {
    }
    %add3A_136 = arith.constant 64 : i32
    %add3A_137 = arith.addi %select_n3A_128, %add3A_136 : i32
    %select_n3A_138 = arith.select %ne3A_132, %add3A_137, %select_n3A_128 : i32
    %and3A_139 = arith.constant 32 : i32
    %and3A_140 = arith.andi %sub3A_90, %and3A_139 : i32
    %ne3A_141 = arith.constant 0 : i32
    %ne3A_142 = arith.cmpi ne, %and3A_140, %ne3A_141 : i32
    %convert_element_type3A_143 = arith.extui %ne3A_142 : i1 to i32
    %cond3A_144 = arith.constant 0 : i32
    %cond3A_145 = arith.cmpi ne, %convert_element_type3A_143, %cond3A_144 : i32
    scf.if %cond3A_145 {
      %and3A_159 = arith.constant 32767 : i32
      %and3A_160 = arith.andi %select_n3A_138, %and3A_159 : i32
      %multiple_of3A_161 = tpu.assume_multiple %and3A_160, 16 : i32
      %add3A_162 = arith.addi %shift_left3A_59, %select_n3A_138 : i32
      %multiple_of3A_163 = tpu.assume_multiple %add3A_162, 16 : i32
      "tpu.region"() ({
        %run_scoped3A = tpu.sem_alloc : memref<!tpu.dma_semaphore, #tpu.memory_space<semaphore_mem>>
        %dma_start3A = tpu.memref_slice %arg7[%multiple_of3A_161] : memref<32768xf32, #tpu.memory_space<vmem>> -> memref<32xf32, #tpu.memory_space<vmem>>
        %dma_start3A_164 = tpu.memref_slice %arg4[%multiple_of3A_163] : memref<10593760xf32, #tpu.memory_space<hbm>> -> memref<32xf32, #tpu.memory_space<hbm>>
        %dma_start3A_165 = tpu.memref_slice %arg4[%multiple_of3A_163] : memref<10593760xf32, #tpu.memory_space<hbm>> -> memref<32xf32, #tpu.memory_space<hbm>>
        %dma_start3A_166 = tpu.memref_slice %arg7[%multiple_of3A_161] : memref<32768xf32, #tpu.memory_space<vmem>> -> memref<32xf32, #tpu.memory_space<vmem>>
        tpu.enqueue_dma source(%dma_start3A_166 : memref<32xf32, #tpu.memory_space<vmem>>) target(%dma_start3A_165 : memref<32xf32, #tpu.memory_space<hbm>>) target_semaphore(%run_scoped3A : memref<!tpu.dma_semaphore, #tpu.memory_space<semaphore_mem>>)
        %dma_wait3A = tpu.memref_slice %arg7[%multiple_of3A_161] : memref<32768xf32, #tpu.memory_space<vmem>> -> memref<32xf32, #tpu.memory_space<vmem>>
        %dma_wait3A_167 = tpu.memref_slice %arg4[%multiple_of3A_163] : memref<10593760xf32, #tpu.memory_space<hbm>> -> memref<32xf32, #tpu.memory_space<hbm>>
        %dma_wait3A_168 = tpu.memref_slice %arg4[%multiple_of3A_163] : memref<10593760xf32, #tpu.memory_space<hbm>> -> memref<32xf32, #tpu.memory_space<hbm>>
        %dma_wait3A_169 = tpu.memref_slice %arg7[%multiple_of3A_161] : memref<32768xf32, #tpu.memory_space<vmem>> -> memref<32xf32, #tpu.memory_space<vmem>>
        tpu.wait_dma2 semaphore(%run_scoped3A : memref<!tpu.dma_semaphore, #tpu.memory_space<semaphore_mem>>) src(%dma_wait3A_169 : memref<32xf32, #tpu.memory_space<vmem>>) dst(%dma_wait3A_168 : memref<32xf32, #tpu.memory_space<hbm>>)
        tpu.yield
      }) : () -> ()
    } else {
    }
    %add3A_146 = arith.constant 32 : i32
    %add3A_147 = arith.addi %select_n3A_138, %add3A_146 : i32
    %select_n3A_148 = arith.select %ne3A_142, %add3A_147, %select_n3A_138 : i32
    %and3A_149 = arith.constant 16 : i32
    %and3A_150 = arith.andi %sub3A_90, %and3A_149 : i32
    %ne3A_151 = arith.constant 0 : i32
    %ne3A_152 = arith.cmpi ne, %and3A_150, %ne3A_151 : i32
    %convert_element_type3A_153 = arith.extui %ne3A_152 : i1 to i32
    %cond3A_154 = arith.constant 0 : i32
    %cond3A_155 = arith.cmpi ne, %convert_element_type3A_153, %cond3A_154 : i32
    scf.if %cond3A_155 {
      %and3A_159 = arith.constant 32767 : i32
      %and3A_160 = arith.andi %select_n3A_148, %and3A_159 : i32
      %multiple_of3A_161 = tpu.assume_multiple %and3A_160, 16 : i32
      %add3A_162 = arith.addi %shift_left3A_59, %select_n3A_148 : i32
      %multiple_of3A_163 = tpu.assume_multiple %add3A_162, 16 : i32
      "tpu.region"() ({
        %run_scoped3A = tpu.sem_alloc : memref<!tpu.dma_semaphore, #tpu.memory_space<semaphore_mem>>
        %dma_start3A = tpu.memref_slice %arg7[%multiple_of3A_161] : memref<32768xf32, #tpu.memory_space<vmem>> -> memref<16xf32, #tpu.memory_space<vmem>>
        %dma_start3A_164 = tpu.memref_slice %arg4[%multiple_of3A_163] : memref<10593760xf32, #tpu.memory_space<hbm>> -> memref<16xf32, #tpu.memory_space<hbm>>
        %dma_start3A_165 = tpu.memref_slice %arg4[%multiple_of3A_163] : memref<10593760xf32, #tpu.memory_space<hbm>> -> memref<16xf32, #tpu.memory_space<hbm>>
        %dma_start3A_166 = tpu.memref_slice %arg7[%multiple_of3A_161] : memref<32768xf32, #tpu.memory_space<vmem>> -> memref<16xf32, #tpu.memory_space<vmem>>
        tpu.enqueue_dma source(%dma_start3A_166 : memref<16xf32, #tpu.memory_space<vmem>>) target(%dma_start3A_165 : memref<16xf32, #tpu.memory_space<hbm>>) target_semaphore(%run_scoped3A : memref<!tpu.dma_semaphore, #tpu.memory_space<semaphore_mem>>)
        %dma_wait3A = tpu.memref_slice %arg7[%multiple_of3A_161] : memref<32768xf32, #tpu.memory_space<vmem>> -> memref<16xf32, #tpu.memory_space<vmem>>
        %dma_wait3A_167 = tpu.memref_slice %arg4[%multiple_of3A_163] : memref<10593760xf32, #tpu.memory_space<hbm>> -> memref<16xf32, #tpu.memory_space<hbm>>
        %dma_wait3A_168 = tpu.memref_slice %arg4[%multiple_of3A_163] : memref<10593760xf32, #tpu.memory_space<hbm>> -> memref<16xf32, #tpu.memory_space<hbm>>
        %dma_wait3A_169 = tpu.memref_slice %arg7[%multiple_of3A_161] : memref<32768xf32, #tpu.memory_space<vmem>> -> memref<16xf32, #tpu.memory_space<vmem>>
        tpu.wait_dma2 semaphore(%run_scoped3A : memref<!tpu.dma_semaphore, #tpu.memory_space<semaphore_mem>>) src(%dma_wait3A_169 : memref<16xf32, #tpu.memory_space<vmem>>) dst(%dma_wait3A_168 : memref<16xf32, #tpu.memory_space<hbm>>)
        tpu.yield
      }) : () -> ()
    } else {
    }
    %add3A_156 = arith.constant 16 : i32
    %add3A_157 = arith.addi %select_n3A_148, %add3A_156 : i32
    %select_n3A_158 = arith.select %ne3A_152, %add3A_157, %select_n3A_148 : i32
    return
  }
}

</mosaic_0001>

<sc_bundles>
// kernel: kernel.3.cloned.1.call-start
scs
__scs_entry_jumppad:
0x0: {  	(pc) =	sbr.rel $0x88, $3  }
0x1: {  	(tag) =	ssettag $0x0;
	lr =	simm.s32 $0x1  }
0x2: {  	[smem:$0x3F9F] =	sst lr;
	_ =	strace $0xD0000000  }
0x3: {  	_ = 	snop  }
0x4: {  	_ = 	snop  }
0x5: {  	_ = 	snop  }
0x6: {  	_ = 	snop  }
0x7: {  	_ = 	snop  }
__scs_overlays_trampoline_lowered:
0x8: {  	[smem:$0x3FAE] =	sst s0  }
0x9: {  	[smem:$0x3FAF] =	sst s1  }
0xa: {  	[smem:$0x3FB0] =	sst s2  }
0xb: {  	[smem:$0x3FB1] =	sst s3  }
0xc: {  	[smem:$0x3FB2] =	sst s4  }
0xd: {  	[smem:$0x3FB3] =	sst s5  }
0xe: {  	[smem:$0x3FB4] =	sst s6  }
0xf: {  	[smem:$0x3FB5] =	sst s7  }
0x10: {  	[smem:$0x3FB6] =	sst s8  }
0x11: {  	[smem:$0x3FB7] =	sst s9;
	s0 =	simm.s32 @!p0 $0x0  }
0x12: {  	s1 =	sld [smem:$0x3F9D];
	s0 =	simm.s32 @p0 $0x1  }
0x13: {  	[smem:$0x3FB8] =	sst s0;
	s0 =	simm.s32 @!p1 $0x0  }
0x14: {  	s2 =	sld [smem:$0x3F9C];
	s0 =	simm.s32 @p1 $0x1  }
0x15: {  	[smem:$0x3FB9] =	sst s0;
	s0 =	simm.s32 @!p2 $0x0  }
0x16: {  	s3 =	sld [smem:$0x3FDB];
	s0 =	simm.s32 @p2 $0x1  }
0x17: {  	s4 =	simm.s32 $0x1BF5;
	[smem:$0x3FBB] =	sst s0  }
0x18: {  	s0 =	sld [smem:$0x3F9E];
	_ =	swait.ge [sflag:s4], $0x0  }
0x19: {  	s7 =	sld [smem:$0x3F9F]  }
0x1a: {  	s8 =	sadd.s32 $0xFFFFE003, lr  }
0x1b: {  	s9 =	sadd.s32 $0xFFFFFEF7, lr;
	s5 =	simm.s32 $0xFFFFFFFF;
	p2 =	slt.u32 s8, $0xFFFFF086  }
0x1c: {  	p1 =	slt.u32 s9, $0xF7A;
	s5 =	simm.s32 @!p2 $0x0  }
0x1d: {  	s5 =	simm.s32 @p1 $0x1;
	p0 =	seq.s32 s7, s2  }
0x1e: {  	s7 =	smul.u32 @!p0 $0xF7A, s2;
	p2 =	seq.s32 @!p0 s5, $0x0  }
0x1f: {  	s9 =	smul.u32 $0xF7A, s1;
	s8 =	simm.s32 @!p0 $0x1BF5;
	p2 =	por !p2, p0  }
0x20: {  	[sflag:s8] =	ssyncset.s32 @!p0 $0xFFFFF086;
	s6 =	sadd.s32 @!p0 s3, s7;
	s7 =	simm.s32 @!p0 $0x108  }
0x21: {  	s3 =	sadd.s32 s3, s9;
	s6 =	sadd.s32 @!p0 $0x88, s6;
	s7 =	simm.s32 @p2 $0x1082  }
0x22: {  	[simem:s7], [sflag:s8] =	dma.local @!p0 [hbm:s6], $0xF7A  }
0x23: {  	s9 =	sor.u32 $0xD0000000, s2;
	s6 =	simm.s32 $0x108;
	_ =	swait.ge @!p0 [sflag:s8], $0x0  }
0x24: {  	s3 =	sadd.s32 $0x88, s3;
	s6 =	simm.s32 @!p1 $0x1082;
	[sflag:s4] =	ssyncset.s32 $0xFFFFF086  }
0x25: {  	[simem:s6], [sflag:s4] =	dma.local [hbm:s3], $0xF7A  }
0x26: {  	[smem:$0x3F9F] =	sst s1;
	(tag) =	ssettag s2;
	_ =	strace s9  }
0x27: {  	s1 =	sld [smem:$0x3FAF]  }
0x28: {  	s2 =	sld [smem:$0x3FB0]  }
0x29: {  	s4 =	sld [smem:$0x3FB2]  }
0x2a: {  	p0 =	seq.s32 s5, $0x0;
	s5 =	sld [smem:$0x3FB3]  }
0x2b: {  	s6 =	sld [smem:$0x3FB4]  }
0x2c: {  	s7 =	sld [smem:$0x3FB5]  }
0x2d: {  	s3 =	simm.s32 $0x108;
	s8 =	sld [smem:$0x3FB6]  }
0x2e: {  	s3 =	simm.s32 @!p0 $0x1082;
	s9 =	sld [smem:$0x3FB7]  }
0x2f: {  	lr =	sadd.s32 s0, s3;
	s0 =	sld [smem:$0x3FAE]  }
0x30: {  	s3 =	sld [smem:$0x3FB1]  }
0x31: {  	[smem:$0x3FBA] =	sst s10  }
0x32: {  	s10 =	sld [smem:$0x3FB8];
	_ =	sdelay $0x3  }
0x33: {  	p0 =	seq.s32 s10, $0x1;
	s10 =	sld [smem:$0x3FBA];
	_ =	sdelay $0x3  }
0x34: {  	[smem:$0x3FBA] =	sst s10  }
0x35: {  	s10 =	sld [smem:$0x3FB9];
	_ =	sdelay $0x3  }
0x36: {  	p1 =	seq.s32 s10, $0x1;
	s10 =	sld [smem:$0x3FBA];
	_ =	sdelay $0x3  }
0x37: {  	[smem:$0x3FBA] =	sst s10  }
0x38: {  	s10 =	sld [smem:$0x3FBB]  }
0x39: {  	_ = 	snop;
	(pc) =	sbr.ind lr, $3  }
0x3a: {  	_ = 	snop  }
0x3b: {  	_ = 	snop  }
0x3c: {  	p2 =	seq.s32 s10, $0x1;
	s10 =	sld [smem:$0x3FBA]  }
0x3d: {  	_ =	shalt  }
0x3e: {  	_ =	shalt  }
0x3f: {  	_ =	shalt  }
0x40: {  	_ =	shalt  }
0x41: {  	_ =	shalt  }
0x42: {  	_ =	shalt  }
0x43: {  	_ =	shalt  }
0x44: {  	_ =	shalt  }
0x45: {  	_ =	shalt  }
0x46: {  	_ =	shalt  }
0x47: {  	_ =	shalt  }
0x48: {  	_ =	shalt  }
0x49: {  	_ =	shalt  }
0x4a: {  	_ =	shalt  }
0x4b: {  	_ =	shalt  }
0x4c: {  	_ =	shalt  }
0x4d: {  	_ =	shalt  }
0x4e: {  	_ =	shalt  }
0x4f: {  	_ =	shalt  }
0x50: {  	_ =	shalt  }
0x51: {  	_ =	shalt  }
0x52: {  	_ =	shalt  }
0x53: {  	_ =	shalt  }
0x54: {  	_ =	shalt  }
0x55: {  	_ =	shalt  }
0x56: {  	_ =	shalt  }
0x57: {  	_ =	shalt  }
0x58: {  	_ =	shalt  }
0x59: {  	_ =	shalt  }
0x5a: {  	_ =	shalt  }
0x5b: {  	_ =	shalt  }
0x5c: {  	_ =	shalt  }
0x5d: {  	_ =	shalt  }
0x5e: {  	_ =	shalt  }
0x5f: {  	_ =	shalt  }
0x60: {  	_ =	shalt  }
0x61: {  	_ =	shalt  }
0x62: {  	_ =	shalt  }
0x63: {  	_ =	shalt  }
0x64: {  	_ =	shalt  }
0x65: {  	_ =	shalt  }
0x66: {  	_ =	shalt  }
0x67: {  	_ =	shalt  }
0x68: {  	_ =	shalt  }
0x69: {  	_ =	shalt  }
0x6a: {  	_ =	shalt  }
0x6b: {  	_ =	shalt  }
0x6c: {  	_ =	shalt  }
0x6d: {  	_ =	shalt  }
0x6e: {  	_ =	shalt  }
0x6f: {  	_ =	shalt  }
0x70: {  	_ =	shalt  }
0x71: {  	_ =	shalt  }
0x72: {  	_ =	shalt  }
0x73: {  	_ =	shalt  }
0x74: {  	_ =	shalt  }
0x75: {  	_ =	shalt  }
0x76: {  	_ =	shalt  }
0x77: {  	_ =	shalt  }
0x78: {  	_ =	shalt  }
0x79: {  	_ =	shalt  }
0x7a: {  	_ =	shalt  }
0x7b: {  	_ =	shalt  }
0x7c: {  	_ =	shalt  }
0x7d: {  	_ =	shalt  }
0x7e: {  	_ =	shalt  }
0x7f: {  	_ =	shalt  }
0x80: {  	_ =	shalt  }
0x81: {  	_ =	shalt  }
0x82: {  	_ =	shalt  }
0x83: {  	_ =	shalt  }
0x84: {  	_ =	shalt  }
0x85: {  	_ =	shalt  }
0x86: {  	_ =	shalt  }
0x87: {  	_ =	shalt  }
.Lfunc_end0:
.L_simem_size_0:
called_computation_lowered:
.L_overlay_start_0:
0x88: {  	s2 =	sld [smem:$0x3FD9]  }
0x89: {  	s3 =	sld [smem:$0x3FFE];
	_ =	sdelay $0x1  }
0x8a: {  	s1 =	srdreg.scid  }
0x8b: {  	s0 =	sand.u32 $0x1, s1  }
0x8c: {  	s17 =	sshll.u32 s0, $0xA;
	s2 =	sadd.s32 s3, s2  }
0x8d: {  	s2 =	sadd.s32 s2, s17  }
0x8e: {  	[smem:$0x3FC6] =	sst s2  }
0x8f: {  	_ = 	snop  }
0x90: {  	s2 =	sld [smem:$0x3FD0];
	(tm) =	ssettm $0x1  }
0x91: {  	s18 =	sld [smem:$0x3FFB];
	_ =	sdelay $0x3  }
0x92: {  	_ =	strace s18  }
0x93: {  	s3 =	sld [smem:$0x3FFC];
	_ =	sdelay $0x3  }
0x94: {  	_ =	strace s3  }
0x95: {  	s3 =	sld [smem:$0x3FFD];
	_ =	sdelay $0x3  }
0x96: {  	_ =	strace s3  }
0x97: {  	_ =	strace $0x8FFFFFFF  }
0x98: {  	s19 =	sld [smem:$0x3FDB];
	_ =	sdelay $0x1  }
0x99: {  	s4 =	simm.s32 $_scs_section_size  }
0x9a: {  	s5 =	simm.s32 $_size__tile_overlayer_lowered;
	s6 =	simm.s32 $_tile_overlayer_lowered  }
0x9b: {  	s22 =	simm.s32 $0x1BFF;
	s21 =	sshll.u32 s6, $0x1;
	s3 =	sadd.s32 s4, s19  }
0x9c: {  	s7 =	simm.s32 $0x0;
	s20 =	sshll.u32 s5, $0x1;
	s5 =	sadd.s32 s21, s3  }
0x9d: {  	[timem:s7], [sflag:s22] =	dma.local [hbm:s5], s20  }
0x9e: {  	_ =	swait.ge [sflag:s22], s20  }
0x9f: {  	s4 =	ssub.s32 $0x0, s20;
	[sflag:s22] =	ssyncset.done $0x0  }
0xa0: {  	[sflag:s22] =	ssyncadd.s32 s4;
	_ =	sdelay $0x1  }
0xa1: {  	s23 =	simm.s32 $0x1B8B  }
0xa2: {  	_ =	swait.ge [sflag:s23], $0x1  }
0xa3: {  	[sflag:s23] =	ssyncset.done $0x0  }
0xa4: {  	s25 =	simm.s32 $0x1B8E;
	s24 =	sld [smem:$0x3FFE];
	[sflag:s23] =	ssyncadd.s32 $0xFFFFFFFF  }
0xa5: {  	s26 =	simm.s32 $execute0_lowered;
	[smem:$0x3FD2] =	sst s25  }
0xa6: {  	s5 =	sshll.u32 s26, $0x1;
	_ =	strace $0x80000046;
	[dreg:$0x1] =	wrdreg $0xFFFFFFFF  }
0xa7: {  	s28 =	simm.s32 $_size_execute0_lowered;
	s3 =	sadd.s32 s3, s5;
	[dreg:$0x0] =	wrdreg $0x0  }
0xa8: {  	s5 =	sshll.u32 s28, $0x1;
	[dreg:$0x2] =	wrdreg s3  }
0xa9: {  	[dreg:$0x3] =	wrdreg s5  }
0xaa: {  	[dreg:$0x4] =	wrdreg $0xC0  }
0xab: {  	_ =	task [dreg:s7], $0x5FFFF  }
0xac: {  	[dreg:$0x1] =	wrdreg $0xFFFFFFFF  }
0xad: {  	[dreg:$0x0] =	wrdreg $0x60  }
0xae: {  	[dreg:$0x2] =	wrdreg s24  }
0xaf: {  	[dreg:$0x3] =	wrdreg s2  }
0xb0: {  	[dreg:$0x4] =	wrdreg $0x9  }
0xb1: {  	_ =	task.clear_ibuf [dreg:s7], $0x5FFFF;
	_ =	strace $0x90000046  }
0xb2: {  	s29 =	simm.s32 $0x9;
	_ =	strace $0x80000048  }
0xb3: {  	_ =	swait.ge [sflag:s29], $0x1  }
0xb4: {  	[sflag:s29] =	ssyncadd.s32 $0xFFFFFFFF  }
0xb5: {  	_ =	strace $0x90000048  }
0xb6: {  	_ =	sfence  }
0xb7: {  	s30 =	sld [smem:$0x0];
	_ =	sdelay $0x2  }
0xb8: {  	s31 =	sshll.u32 s1, $0xD;
	s1 =	sshrl.u32 s1, $0x2  }
0xb9: {  	s3 =	sand.u32 $0x4000, s31;
	s1 =	sadd.s32 s1, s30  }
0xba: {  	s0 =	sor.u32 s3, s0;
	s1 =	sshll.u32 s1, $0x11  }
0xbb: {  	s0 =	sor.u32 s1, s0  }
0xbc: {  	s0 =	sadd.s32 $0x8F2B, s0  }
0xbd: {  	[sflag:s0] =	ssyncadd.remote.s32 $0x1  }
0xbe: {  	_ =	sfence.sel $0xFFFF  }
0xbf: {  	[dreg:$0x0] =	wrdreg $0xFFFFFFFF;
	(pc) =	sbr.abs _section_cstart, $3  }
0xc0: {  	[dreg:$0x1] =	wrdreg $0xFFFFFFFF  }
0xc1: {  	_ =	task.clear_ibuf [dreg:s7], $0x2FFFF;
	_ =	strace $0x9FFFFFFF  }
0xc2: {  	(tm) =	ssettm $0x7FFFFFFF  }
0xc3: {  	_ =	shalt  }
tec
execute0_lowered:
.L_overlay_start_1:
0x0: {  	(tag) =	ssettag $0x1  }
0x1: {  	s3 =	rddreg [dreg:$0x0]  }
0x2: {  	s2 =	rddreg [dreg:$0x1];
	s0 =	srdreg.scid;
	s4 =	simm.s32 $0x0  }
0x3: {  	s10 =	stileid.u32;
	s28 =	simm.s32 $0x10600;
	s29 =	simm.s32 $0x10380  }
0x4: {  	s30 =	simm.s32 $0x10400;
	s31 =	simm.s32 $0x10480;
	s0 =	sand.u32 $0x1, s0  }
0x5: {  	[smem:$0x7FF] =	sst s4;
	s20 =	smul.u32 $0xD00, s10;
	s1 =	sshll.u32 s0, $0x4  }
0x6: {  	s17 =	ssub.s32 $0x2, s0;
	s0 =	smul.u32 $0xD000, s0;
	s1 =	sor.u32 s10, s1  }
0x7: {  	s5 =	sadd.s32 $0x400, s3;
	_ =	strace $0x80000047;
	s11 =	smul.u32 $0x34, s1  }
0x8: {  	s6 =	sshrl.u32 s17, $0x1;
	p0 =	slt.u32 s1, $0x11;
	s12 =	smul.u32 $0x340, s1  }
0x9: {  	s7 =	sadd.s32 $0x1, s1;
	s9 =	smov.u32 s1;
	s18 =	smul.u32 $0xD00, s1  }
0xa: {  	s3 =	ssub.s32 s17, s6;
	s17 =	simm.s32 $0x3;
	p3 =	seq.s32 s1, $0x0  }
0xb: {  	p4 =	seq.s32 s1, $0x1F;
	s7 =	simm.s32 @p0 $0x0;
	[dreg:$0x6] =	wrdreg s18  }
0xc: {  	s9 =	simm.s32 @!p0 $0x20;
	s3 =	smax.u32 s3, $0x1;
	[dreg:$0x4] =	wrdreg s12  }
0xd: {  	s8 =	sadd.s32 $0x34, s11;
	s19 =	sshrl.u32 s12, $0x3;
	[dreg:$0x3] =	wrdreg s11  }
0xe: {  	s11 =	simm.s32 @!p0 $0x680;
	[dreg:$0x8] =	wrdreg s3;
	s22 =	smul.u32 $0xD00, s7  }
0xf: {  	s21 =	ssub.s32 s9, s7;
	s23 =	smul.u32 $0x340, s7;
	p1 =	sgt.u32 s9, s7  }
0x10: {  	s18 =	simm.s32 $0x10700;
	s6 =	sadd.s32 s5, s19;
	[dreg:$0x9] =	wrdreg s21  }
0x11: {  	s7 =	simm.s32 $0x0;
	s13 =	smov.u32 s8;
	[dreg:$0x7] =	wrdreg s6  }
0x12: {  	s13 =	simm.s32 @p0 $0x0;
	[dreg:$0xa] =	wrdreg s23;
	s3 =	sshrl.u32 s22, $0x2  }
0x13: {  	s6 =	sadd.s32 s20, s0;
	s22 =	simm.s32 $0x6800;
	[dreg:$0xc] =	wrdreg s3  }
0x14: {  	s23 =	simm.s32 $0x2;
	s24 =	sshll.u32 s13, $0x4;
	[dreg:$0xb] =	wrdreg s6  }
0x15: {  	s26 =	sshrl.u32 s6, $0x2;
	[dreg:$0x5] =	wrdreg s13;
	s0 =	sand.u32 $0x3FFFFFC0, s24  }
0x16: {  	v0 =	vlaneseq.u32;
	s25 =	sor.u32 $0x80, s6;
	[dreg:$0xf] =	wrdreg s26;
	s0 =	sor.u32 $0x20, s0  }
0x17: {  	s3 =	sshrl.u32 s25, $0x2;
	[dreg:$0xe] =	wrdreg s0;
	s0 =	simm.s32 @!p1 $0x0  }
0x18: {  	v2 =	vimm.s32 $0x0;
	p2 =	slt.u32 s13, s11;
	[dreg:$0xd] =	wrdreg s3;
	s0 =	simm.s32 @p1 $0x1  }
0x19: {  	v4 =	vimm.s32 $0x1;
	v1 =	vmul.u32 $0xFFFFFFFF, v0;
	v3 =	vmul.u32 $0x10, v0;
	s25 =	simm.s32 $0x8200;
	s26 =	simm.s32 $0x10500;
	[smem:$0x7FD] =	sst s0  }
.LBB2_1:
0x1a: {  	s0 =	rddreg [dreg:$0x4]  }
0x1b: {  	s1 =	rddreg [dreg:$0x7]  }
0x1c: {  	[tilespmem:s0], [sflag:$0x3] =	stream.linear.gather [hbm4b:s1+s4], $0x340, $0x38;
	[tilespmem:$0x10780] =	vst v63  }
0x1d: {  	_ =	swait.ge [sflag:s17], $0x340  }
0x1e: {  	[sflag:s17] =	ssyncset.done $0x0  }
0x1f: {  	[sflag:s17] =	ssyncadd.s32 $0xFFFFFCC0  }
0x20: {  	s21 =	rddreg [dreg:$0x0]  }
0x21: {  	[tilespmem:s22], [sflag:$0x3] =	stream.linear.gather [hbm4b:s21+s4], $0x1A00, $0x38;
	[tilespmem:$0x10780] =	vst v63  }
0x22: {  	_ =	swait.ge [sflag:s17], $0x1A00  }
0x23: {  	s24 =	sld [smem:$0x7FD];
	_ =	sdelay $0x2  }
0x24: {  	p1 =	seq.s32 s24, $0x1  }
.Ltmp0:
0x25: {  	_ = 	snop;
	(pc) =	sbr.rel @!p1 .LBB2_2-.Ltmp0, $3  }
0x26: {  	_ =	sdelay $0x1  }
0x27: {  	[sflag:s17] =	ssyncset.done $0x0  }
0x28: {  	[sflag:s17] =	ssyncadd.s32 $0xFFFFE600  }
0x29: {  	s24 =	rddreg [dreg:$0x9]  }
0x2a: {  	p5 =	sne.s32 s24, $0x1  }
.Ltmp1:
0x2b: {  	s1 =	rddreg [dreg:$0xa];
	(pc) =	sbr.rel @!p5 .LBB2_22-.Ltmp1, $4  }
0x2c: {  	s0 =	sshrl.u32 s1, $0x3  }
0x2d: {  	s3 =	rddreg [dreg:$0xc];
	s0 =	sadd.s32 s5, s0  }
0x2e: {  	[tilespmem:s3], [sflag:$0x2] =	stream.linear.gather [hbm4b:s0+s4], $0x340, $0x38;
	[tilespmem:$0x10780] =	vst v63  }
0x2f: {  	s1 =	sadd.s32 $0x340, s1;
	s0 =	sadd.s32 $0xFFFFFFFF, s24  }
.LBB2_21:
0x30: {  	s6 =	sshrl.u32 s1, $0x3;
	p5 =	sne.s32 s0, $0x1;
	s0 =	sadd.s32 $0xFFFFFFFF, s0  }
.Ltmp2:
0x31: {  	s3 =	sadd.s32 $0x340, s3;
	s6 =	sadd.s32 s5, s6;
	(pc) =	sbr.rel @p5 .LBB2_21-.Ltmp2, $3  }
0x32: {  	[tilespmem:s3], [sflag:$0x2] =	stream.linear.gather [hbm4b:s6+s4], $0x340, $0x38;
	[tilespmem:$0x10780] =	vst v63  }
0x33: {  	_ =	sdelay $0x1  }
0x34: {  	s1 =	sadd.s32 $0x340, s1  }
.LBB2_22:
0x35: {  	s0 =	rddreg [dreg:$0x9]  }
0x36: {  	p5 =	seq.s32 s0, $0x1  }
.Ltmp3:
0x37: {  	_ = 	snop;
	(pc) =	sbr.rel @p5 .LBB2_24-.Ltmp3, $3  }
0x38: {  	_ =	sdelay $0x1  }
0x39: {  	_ =	swait.ge [sflag:s23], $0x340  }
0x3a: {  	s0 =	sadd.s32 $0xFFFFFFFF, s0;
	[sflag:s23] =	ssyncset.done $0x0  }
.LBB2_23:
0x3b: {  	p5 =	seq.s32 s0, $0x1;
	s0 =	sadd.s32 $0xFFFFFFFF, s0;
	[sflag:s23] =	ssyncadd.s32 $0xFFFFFCC0  }
.Ltmp4:
0x3c: {  	(pc) =	sbr.rel @!p5 .LBB2_23-.Ltmp4, $3  }
0x3d: {  	_ =	sdelay $0x1  }
0x3e: {  	_ =	swait.ge [sflag:s23], $0x340  }
0x3f: {  	[sflag:s23] =	ssyncset.done $0x0  }
.LBB2_24:
0x40: {  	[sflag:s23] =	ssyncadd.s32 $0xFFFFFCC0  }
.LBB2_2:
0x41: {  	s3 =	rddreg [dreg:$0xd]  }
0x42: {  	v6 =	vld [tilespmem:s3+$0xFFFFFFE0];
	_ =	sdelay $0x3  }
0x43: {  	v7 =	vld [tilespmem:s3+$0xFFFFFFF0]  }
0x44: {  	v5 =	vimm.s32 $0x0;
	v8 =	vand.u32 $0xFF, v6  }
0x45: {  	v9 =	vshrl.u32 v6, $0x18;
	v5 =	vadd.s32 v5, v8;
	v8 =	vshrl.u32 v6, $0x8  }
0x46: {  	v6 =	vshrl.u32 v6, $0x10;
	v8 =	vand.u32 $0xFF, v8;
	v5 =	vadd.s32 v9, v5  }
0x47: {  	v6 =	vand.u32 $0xFF, v6;
	v9 =	vld [tilespmem:s3+$0x0];
	v5 =	vadd.s32 v8, v5  }
0x48: {  	v8 =	vand.u32 $0xFF, v7;
	v5 =	vadd.s32 v6, v5  }
0x49: {  	s0 =	rddreg [dreg:$0x3];
	v10 =	vshrl.u32 v7, $0x18;
	v6 =	vshrl.u32 v7, $0x8;
	v5 =	vadd.s32 v8, v5  }
0x4a: {  	s1 =	sadd.s32 $0x4, s0;
	v7 =	vshrl.u32 v7, $0x10;
	v6 =	vand.u32 $0xFF, v6;
	v5 =	vadd.s32 v10, v5  }
0x4b: {  	p5 =	slt.u32 s1, s8;
	v7 =	vand.u32 $0xFF, v7;
	v5 =	vadd.s32 v6, v5  }
.Ltmp5:
0x4c: {  	v6 =	vand.u32 $0xFF, v9;
	v5 =	vadd.s32 v7, v5;
	(pc) =	sbr.rel @!p5 .LBB2_4-.Ltmp5, $3  }
0x4d: {  	v10 =	vadd.s32 v6, v5;
	v5 =	vld [tilespmem:s3+$0x10];
	_ =	sdelay $0x1  }
0x4e: {  	v8 =	vshrl.u32 v9, $0x18;
	v7 =	vshrl.u32 v9, $0x8  }
0x4f: {  	s0 =	sadd.s32 $0x40, s3;
	v6 =	vand.u32 $0xFF, v7;
	v7 =	vshrl.u32 v9, $0x10;
	v8 =	vadd.s32 v8, v10  }
.LBB2_3:
0x50: {  	v9 =	vld [tilespmem:s0+$0xFFFFFFE0];
	s1 =	sadd.s32 $0x4, s1;
	v7 =	vand.u32 $0xFF, v7;
	v6 =	vadd.s32 v6, v8  }
0x51: {  	p5 =	slt.u32 s1, s8;
	v8 =	vand.u32 $0xFF, v5;
	v6 =	vadd.s32 v7, v6  }
0x52: {  	v7 =	vshrl.u32 v5, $0x8;
	v10 =	vshrl.u32 v5, $0x18;
	v6 =	vadd.s32 v8, v6  }
0x53: {  	v5 =	vshrl.u32 v5, $0x10;
	v7 =	vand.u32 $0xFF, v7;
	v6 =	vadd.s32 v10, v6  }
0x54: {  	v5 =	vand.u32 $0xFF, v5;
	v8 =	vld [tilespmem:s0+$0xFFFFFFF0];
	v6 =	vadd.s32 v7, v6  }
0x55: {  	v7 =	vand.u32 $0xFF, v9;
	v5 =	vadd.s32 v5, v6  }
0x56: {  	v6 =	vshrl.u32 v9, $0x8;
	v5 =	vadd.s32 v5, v7;
	v7 =	vshrl.u32 v9, $0x18  }
0x57: {  	v6 =	vand.u32 $0xFF, v6;
	v9 =	vshrl.u32 v9, $0x10;
	v5 =	vadd.s32 v7, v5  }
0x58: {  	v7 =	vand.u32 $0xFF, v9;
	v9 =	vld [tilespmem:s0+$0x0];
	v5 =	vadd.s32 v6, v5  }
0x59: {  	v6 =	vand.u32 $0xFF, v8;
	v5 =	vadd.s32 v7, v5  }
0x5a: {  	v7 =	vshrl.u32 v8, $0x8;
	v10 =	vshrl.u32 v8, $0x18;
	v5 =	vadd.s32 v6, v5  }
.Ltmp6:
0x5b: {  	v6 =	vand.u32 $0xFF, v7;
	v7 =	vshrl.u32 v8, $0x10;
	v8 =	vadd.s32 v10, v5;
	(pc) =	sbr.rel @p5 .LBB2_3-.Ltmp6, $4  }
0x5c: {  	v7 =	vand.u32 $0xFF, v7;
	v5 =	vld [tilespmem:s0+$0x10];
	v6 =	vadd.s32 v6, v8  }
0x5d: {  	v8 =	vand.u32 $0xFF, v9;
	v6 =	vadd.s32 v7, v6  }
0x5e: {  	v7 =	vshrl.u32 v9, $0x8;
	v10 =	vshrl.u32 v9, $0x18;
	v8 =	vadd.s32 v8, v6  }
0x5f: {  	s0 =	sadd.s32 $0x40, s0;
	v6 =	vand.u32 $0xFF, v7;
	v7 =	vshrl.u32 v9, $0x10;
	v8 =	vadd.s32 v10, v8  }
.LBB2_4:
0x60: {  	v7 =	vand.u32 $0xFF, v7;
	v6 =	vadd.s32 v6, v8  }
0x61: {  	v63 =	vand.u32 $0xFF, v5;
	v6 =	vadd.s32 v7, v6  }
0x62: {  	v7 =	vshrl.u32 v5, $0x8;
	v9 =	vshrl.u32 v5, $0x18;
	v6 =	vadd.s32 v63, v6  }
0x63: {  	v5 =	vshrl.u32 v5, $0x10;
	v7 =	vand.u32 $0xFF, v7;
	v6 =	vadd.s32 v9, v6  }
0x64: {  	v5 =	vand.u32 $0xFF, v5;
	v6 =	vadd.s32 v7, v6  }
0x65: {  	v5 =	vadd.s32 v5, v6  }
0x66: {  	(xrf0) =	vadd.scan.msk.s32 $0xffff, v5;
	_ =	sdelay $0x5  }
0x67: {  	v5, _, _ =	vpop (xrf0)  }
0x68: {  	(v2sf) =	vpush v5, $0xF;
	_ =	sdelay $0xa  }
.Ltmp7:
0x69: {  	_ = 	snop;
	(pc) =	sbr.rel @!p2 .LBB2_8-.Ltmp7, $2  }
0x6a: {  	_ =	sdelay $0x2  }
0x6b: {  	v5 =	vimm.s32 $0x0;
	s3 =	spop (v2sf)  }
0x6c: {  	s6 =	rddreg [dreg:$0xe]  }
0x6d: {  	v6 =	vld [tilespmem:s6+$0xFFFFFFE0];
	_ =	sdelay $0x3  }
0x6e: {  	v7 =	vld [tilespmem:s6+$0xFFFFFFF0]  }
0x6f: {  	v5 =	vimm.s32 $0x0;
	v8 =	vand.u32 $0xFF, v6  }
0x70: {  	v9 =	vshrl.u32 v6, $0x18;
	v5 =	vadd.s32 v5, v8;
	v8 =	vshrl.u32 v6, $0x8  }
0x71: {  	v6 =	vshrl.u32 v6, $0x10;
	v8 =	vand.u32 $0xFF, v8;
	v5 =	vadd.s32 v9, v5  }
0x72: {  	v6 =	vand.u32 $0xFF, v6;
	v9 =	vld [tilespmem:s6+$0x0];
	v5 =	vadd.s32 v8, v5  }
0x73: {  	v8 =	vand.u32 $0xFF, v7;
	v5 =	vadd.s32 v6, v5  }
0x74: {  	s0 =	rddreg [dreg:$0x5];
	v10 =	vshrl.u32 v7, $0x18;
	v6 =	vshrl.u32 v7, $0x8;
	v5 =	vadd.s32 v8, v5  }
0x75: {  	s1 =	sadd.s32 $0x4, s0;
	v7 =	vshrl.u32 v7, $0x10;
	v6 =	vand.u32 $0xFF, v6;
	v5 =	vadd.s32 v10, v5  }
0x76: {  	p5 =	slt.u32 s1, s11;
	v7 =	vand.u32 $0xFF, v7;
	v5 =	vadd.s32 v6, v5  }
.Ltmp8:
0x77: {  	v6 =	vand.u32 $0xFF, v9;
	v5 =	vadd.s32 v7, v5;
	(pc) =	sbr.rel @!p5 .LBB2_7-.Ltmp8, $3  }
0x78: {  	v10 =	vadd.s32 v6, v5;
	v5 =	vld [tilespmem:s6+$0x10];
	_ =	sdelay $0x1  }
0x79: {  	v8 =	vshrl.u32 v9, $0x18;
	v7 =	vshrl.u32 v9, $0x8  }
0x7a: {  	s0 =	sadd.s32 $0x40, s6;
	v6 =	vand.u32 $0xFF, v7;
	v7 =	vshrl.u32 v9, $0x10;
	v8 =	vadd.s32 v8, v10  }
.LBB2_6:
0x7b: {  	v9 =	vld [tilespmem:s0+$0xFFFFFFE0];
	s1 =	sadd.s32 $0x4, s1;
	v7 =	vand.u32 $0xFF, v7;
	v6 =	vadd.s32 v6, v8  }
0x7c: {  	p5 =	slt.u32 s1, s11;
	v8 =	vand.u32 $0xFF, v5;
	v6 =	vadd.s32 v7, v6  }
0x7d: {  	v7 =	vshrl.u32 v5, $0x8;
	v10 =	vshrl.u32 v5, $0x18;
	v6 =	vadd.s32 v8, v6  }
0x7e: {  	v5 =	vshrl.u32 v5, $0x10;
	v7 =	vand.u32 $0xFF, v7;
	v6 =	vadd.s32 v10, v6  }
0x7f: {  	v5 =	vand.u32 $0xFF, v5;
	v8 =	vld [tilespmem:s0+$0xFFFFFFF0];
	v6 =	vadd.s32 v7, v6  }
0x80: {  	v7 =	vand.u32 $0xFF, v9;
	v5 =	vadd.s32 v5, v6  }
0x81: {  	v6 =	vshrl.u32 v9, $0x8;
	v5 =	vadd.s32 v5, v7;
	v7 =	vshrl.u32 v9, $0x18  }
0x82: {  	v6 =	vand.u32 $0xFF, v6;
	v9 =	vshrl.u32 v9, $0x10;
	v5 =	vadd.s32 v7, v5  }
0x83: {  	v7 =	vand.u32 $0xFF, v9;
	v9 =	vld [tilespmem:s0+$0x0];
	v5 =	vadd.s32 v6, v5  }
0x84: {  	v6 =	vand.u32 $0xFF, v8;
	v5 =	vadd.s32 v7, v5  }
0x85: {  	v7 =	vshrl.u32 v8, $0x8;
	v10 =	vshrl.u32 v8, $0x18;
	v5 =	vadd.s32 v6, v5  }
.Ltmp9:
0x86: {  	v6 =	vand.u32 $0xFF, v7;
	v7 =	vshrl.u32 v8, $0x10;
	v8 =	vadd.s32 v10, v5;
	(pc) =	sbr.rel @p5 .LBB2_6-.Ltmp9, $4  }
0x87: {  	v7 =	vand.u32 $0xFF, v7;
	v5 =	vld [tilespmem:s0+$0x10];
	v6 =	vadd.s32 v6, v8  }
0x88: {  	v8 =	vand.u32 $0xFF, v9;
	v6 =	vadd.s32 v7, v6  }
0x89: {  	v7 =	vshrl.u32 v9, $0x8;
	v10 =	vshrl.u32 v9, $0x18;
	v8 =	vadd.s32 v8, v6  }
0x8a: {  	s0 =	sadd.s32 $0x40, s0;
	v6 =	vand.u32 $0xFF, v7;
	v7 =	vshrl.u32 v9, $0x10;
	v8 =	vadd.s32 v10, v8  }
.LBB2_7:
0x8b: {  	v7 =	vand.u32 $0xFF, v7;
	v6 =	vadd.s32 v6, v8  }
0x8c: {  	v63 =	vand.u32 $0xFF, v5;
	v6 =	vadd.s32 v7, v6  }
0x8d: {  	v7 =	vshrl.u32 v5, $0x8;
	v9 =	vshrl.u32 v5, $0x18;
	v6 =	vadd.s32 v63, v6  }
0x8e: {  	v5 =	vshrl.u32 v5, $0x10;
	v7 =	vand.u32 $0xFF, v7;
	v6 =	vadd.s32 v9, v6  }
0x8f: {  	v5 =	vand.u32 $0xFF, v5;
	v6 =	vadd.s32 v7, v6  }
0x90: {  	v5 =	vadd.s32 v5, v6  }
.LBB2_8:
0x91: {  	(xrf0) =	vadd.scan.msk.s32 $0xffff, v5;
	_ =	sdelay $0x5  }
0x92: {  	v5, _, _ =	vpop (xrf0)  }
0x93: {  	(v2sf) =	vpush v5, $0xF;
	_ =	sdelay $0xe  }
0x94: {  	s0 =	spop (v2sf)  }
0x95: {  	s1 =	sadd.s32 s0, s3  }
0x96: {  	[dreg:$0x10] =	wrdreg s7;
	s7 =	ssub.s32 $0xA1A5D9, s1  }
0x97: {  	s7 =	smov.u32 @p0 s0  }
0x98: {  	s1 =	sand.u32 $0xF, s7  }
0x99: {  	p5 =	sne.s32 @!p3 s1, $0x0  }
0x9a: {  	p5 =	por p3, !p5  }
.Ltmp10:
0x9b: {  	_ = 	snop;
	(pc) =	sbr.rel @p5 .LBB2_13-.Ltmp10, $1  }
0x9c: {  	_ =	sdelay $0x3  }
0x9d: {  	v5 =	vmov s1  }
0x9e: {  	v6 =	vadd.s32 s1, v1;
	s9 =	simm.s32 $0x0;
	s10 =	simm.s32 $0x0;
	s12 =	rddreg [dreg:$0x6];
	vm0 =	vgt.u32 v5, v0  }
.LBB2_10:
0x9f: {  	s13 =	sadd.s32 $0xFFFFFFF0, s12  }
0xa0: {  	s0 =	sshrl.u32 s13, $0x5  }
0xa1: {  	s0 =	sand.u32 $0x7FFFFFE, s0  }
0xa2: {  	s0 =	sadd.s32 s5, s0  }
0xa3: {  	[tilespmem:s18], [sflag:$0x3] =	stream.linear.gather [hbm4b:s0+s9], $0x10, $0x38;
	[tilespmem:$0x10780] =	vst v63  }
0xa4: {  	_ =	swait.ge [sflag:s17], $0x10  }
0xa5: {  	[sflag:s17] =	ssyncset.done $0x0  }
0xa6: {  	[sflag:s17] =	ssyncadd.s32 $0xFFFFFFF0  }
0xa7: {  	v7 =	vld [tilespmem:$0x10700];
	_ =	sdelay $0x2  }
0xa8: {  	s15 =	sshrl.u32 s13, $0x1  }
0xa9: {  	s0 =	sand.u32 $0x18, s15  }
0xaa: {  	v7 =	vshra.s32 v7, s0  }
0xab: {  	v8 =	vand.u32 $0xFF, v7  }
0xac: {  	(xrf0) =	vadd.scan.msk.s32 $0xffff, v8;
	_ =	sdelay $0x5  }
0xad: {  	v7, _, _ =	vpop (xrf0)  }
0xae: {  	v9 =	vxor.u32 $0x80000000, v7  }
0xaf: {  	(xrf0) =	vmax.scan.msk.u32 $0xffff, v9;
	_ =	sdelay $0x5  }
0xb0: {  	v9, _, _ =	vpop (xrf0)  }
0xb1: {  	(v2sf) =	vpush v9, $0xF;
	_ =	sdelay $0xe  }
0xb2: {  	s16 =	spop (v2sf)  }
0xb3: {  	v10 =	vmov s9;
	s15 =	sxor.u32 $0x80000000, s16  }
0xb4: {  	vm1 =	veq.s32 v10, v0;
	v9 =	vsub.s32 s15, v7  }
0xb5: {  	v7 =	vnsel vm1, $0x0, v9  }
0xb6: {  	(xrf0) =	vadd.scan.msk.s32 $0xffff, v7;
	_ =	sdelay $0x1  }
0xb7: {  	s19 =	simm.s32 $0x1  }
0xb8: {  	v7 =	vmov s19  }
0xb9: {  	vm2 =	veq.s32 v7, v0  }
0xba: {  	v7 =	vnsel vm2, $0x0, v9  }
0xbb: {  	(xrf0) =	vadd.scan.msk.s32 $0xffff, v7;
	v10, _, _ =	vpop (xrf0)  }
0xbc: {  	vm1 =	vmmov vm1;
	(v2sf) =	vpush v10, $0xF  }
0xbd: {  	s20 =	simm.s32 $0x2;
	v7 =	vnsel vm1, $0x0, v8  }
0xbe: {  	(xrf0) =	vadd.scan.msk.s32 $0xffff, v7;
	v7 =	vmov s20;
	_ =	sdelay $0x2  }
0xbf: {  	vm3 =	veq.s32 v7, v0;
	v7, _, _ =	vpop (xrf0)  }
0xc0: {  	v10 =	vnsel vm3, $0x0, v9;
	(v2sf) =	vpush v7, $0xF  }
0xc1: {  	vm2 =	vmmov vm2;
	v7 =	vmov s13  }
0xc2: {  	v11 =	vnsel vm2, $0x0, v8;
	(xrf0) =	vadd.scan.msk.s32 $0xffff, v10;
	v7 =	vshra.s32 v7, $0xC  }
0xc3: {  	s21 =	simm.s32 $0x3;
	v10, _, _ =	vpop (xrf0);
	(xrf0) =	vadd.scan.msk.s32 $0xffff, v11;
	v7 =	vshll.u32 v7, $0x8  }
0xc4: {  	vm1 =	vmmov vm1;
	v11 =	vmov s21;
	v7 =	vbroadcast v7, $0x0  }
0xc5: {  	vm1 =	vmmov vm1;
	vm4 =	veq.s32 v11, v0  }
0xc6: {  	(v2sf) =	vpush v10, $0xF;
	v12 =	vnsel vm4, $0x0, v9;
	v11 =	vnsel vm1, $0x0, v7  }
0xc7: {  	v10 =	vbroadcast v10, $0xF;
	vm1 =	vmmov vm3;
	(xrf0) =	vadd.scan.msk.s32 $0xffff, v11  }
0xc8: {  	vm2 =	vmmov vm2;
	v13, _, _ =	vpop (xrf0);
	v11 =	vnsel vm1, $0x0, v8;
	(xrf0) =	vadd.scan.msk.s32 $0xffff, v12  }
0xc9: {  	s6 =	simm.s32 $0x4;
	vm2 =	vmmov vm2;
	v10 =	vsub.s32 v10, v5;
	v12, _, _ =	vpop (xrf0);
	(xrf0) =	vadd.scan.msk.s32 $0xffff, v11;
	s24 =	spop (v2sf)  }
0xca: {  	vm3 =	vmmov vm4;
	(v2sf) =	vpush v13, $0xF;
	v11 =	vmov s6;
	s0 =	sadd.s32 s10, s24  }
0xcb: {  	v13 =	vnsel vm2, $0x0, v7;
	vm4 =	veq.s32 v11, v0;
	v10 =	vadd.s32 s0, v10  }
0xcc: {  	v14 =	vnsel vm4, $0x0, v9;
	(v2sf) =	vpush v12, $0xF;
	v10 =	vadd.s32 v0, v10  }
0xcd: {  	v11 =	vnsel vm3, $0x0, v8;
	v15, _, _ =	vpop (xrf0);
	(xrf0) =	vadd.scan.msk.s32 $0xffff, v13;
	vm2 =	vgt.s32 v10, $0x0  }
0xce: {  	s14 =	simm.s32 $0x5;
	v12 =	vbroadcast v12, $0xF;
	v16, _, _ =	vpop (xrf0);
	v13 =	vbroadcast v15, $0xF;
	(xrf0) =	vadd.scan.msk.s32 $0xffff, v14;
	v10 =	vnsel vm2, $0x0, v10  }
0xcf: {  	v15 =	vmov s14;
	v14, _, _ =	vpop (xrf0);
	(xrf0) =	vadd.scan.msk.s32 $0xffff, v11;
	s16 =	spop (v2sf);
	v10 =	vmin.u32 v10, $0xC8  }
0xd0: {  	(v2sf) =	vpush v16, $0xF;
	s14 =	sadd.s32 s10, s16;
	v16 =	vadd.s32 v13, v10;
	v10 =	vsub.s32 v12, v5  }
0xd1: {  	v10 =	vadd.s32 s14, v10  }
0xd2: {  	s20 =	simm.s32 $0x6;
	vm1 =	vmmov vm1;
	v10 =	vadd.s32 v0, v10  }
0xd3: {  	v63 =	vmov s20;
	vm1 =	vmmov vm1;
	v13, _, _ =	vpop (xrf0)  }
0xd4: {  	vm5 =	veq.s32 v15, v0;
	(v2sf) =	vpush v14, $0xF;
	v15, _, _ =	vpop (xrf0);
	vm6 =	vgt.s32 v10, $0x0  }
0xd5: {  	vm3 =	vmmov vm3;
	s19 =	spop (v2sf);
	(v2sf) =	vpush v15, $0xF;
	v18 =	vnsel vm6, $0x0, v10;
	v10, _, _ =	vpop (xrf0)  }
0xd6: {  	vm4 =	vmmov vm4;
	vm8 =	vmmov vm3;
	s6 =	sadd.s32 s19, s0;
	(v2sf) =	vpush v10, $0xF  }
0xd7: {  	v11 =	vnsel vm1, $0x0, v7;
	vm1 =	vgt.s32 v6, s0;
	vm2 =	vle.s32 v6, s6  }
0xd8: {  	v17 =	vnsel vm4, $0x0, v8;
	v14 =	vbroadcast v14, $0xF;
	vm7 =	vmand vm1, vm2  }
0xd9: {  	v12 =	vnsel vm5, $0x0, v9;
	(xrf0) =	vadd.scan.msk.s32 $0xffff, v11;
	v13 =	vbroadcast v13, $0xF;
	s21 =	spop (v2sf);
	vm3 =	vmand vm0, vm7  }
0xda: {  	v14 =	vsub.s32 v14, v5;
	(xrf0) =	vadd.scan.msk.s32 $0xffff, v12;
	vm2 =	vmmov vm4;
	s6 =	sadd.s32 s10, s21;
	v15 =	vmin.u32 v18, $0xC8;
	v12 =	vld.idx.msk [tilespmem:v16+s22+$0x0], $0xffff  }
0xdb: {  	vm1 =	vmmov vm5;
	v14 =	vadd.s32 s6, v14;
	(xrf0) =	vadd.scan.msk.s32 $0xffff, v17;
	v11 =	vadd.s32 v13, v15;
	s24 =	spop (v2sf)  }
0xdc: {  	vm4 =	veq.s32 v63, v0;
	vm5 =	vgt.s32 v6, s14;
	v14 =	vadd.s32 v0, v14;
	s16 =	sadd.s32 s24, s14  }
0xdd: {  	s0 =	simm.s32 $0x7;
	v13 =	vnsel vm1, $0x0, v8;
	v15 =	vnsel vm8, $0x0, v7;
	vm6 =	vle.s32 v6, s16  }
.LBB2_11:
0xde: {  	v16 =	vnsel vm4, $0x0, v9;
	vm7 =	vgt.s32 v14, $0x0;
	vm5 =	vmand vm5, vm6  }
0xdf: {  	p5 =	sne.s32 s0, $0xF;
	v17, _, _ =	vpop (xrf0);
	[tilespmem:v0+s25+$0x0] =	vst.idx.msk vm3, v12;
	vm6 =	vmmov vm2;
	vm2 =	vmmov vm1;
	vm1 =	vmmov vm4  }
0xe0: {  	v18, _, _ =	vpop (xrf0);
	(xrf0) =	vadd.scan.msk.s32 $0xffff, v15;
	v14 =	vnsel vm7, $0x0, v14;
	v15 =	vbroadcast v17, $0xF;
	vm3 =	vmand vm0, vm5;
	v12 =	vld.idx.msk [tilespmem:v11+s22+$0x0], $0xffff  }
.Ltmp11:
0xe1: {  	(xrf0) =	vadd.scan.msk.s32 $0xffff, v16;
	(v2sf) =	vpush v18, $0xF;
	v16 =	vbroadcast v10, $0xF;
	v10, _, _ =	vpop (xrf0);
	v11 =	vmin.u32 v14, $0xC8;
	(pc) =	sbr.rel @p5 .LBB2_11-.Ltmp11, $4  }
0xe2: {  	v14 =	vmov s0;
	(xrf0) =	vadd.scan.msk.s32 $0xffff, v13;
	(v2sf) =	vpush v10, $0xF;
	s14 =	spop (v2sf);
	v11 =	vadd.s32 v15, v11  }
0xe3: {  	vm4 =	veq.s32 v14, v0;
	s14 =	sadd.s32 s10, s14;
	v14 =	vsub.s32 v16, v5;
	s16 =	spop (v2sf)  }
0xe4: {  	v13 =	vnsel vm1, $0x0, v8;
	v15 =	vnsel vm6, $0x0, v7;
	v14 =	vadd.s32 s14, v14;
	s16 =	sadd.s32 s16, s6  }
0xe5: {  	vm5 =	vgt.s32 v6, s6;
	s0 =	sadd.s32 $0x1, s0;
	s6 =	smov.u32 s14;
	v14 =	vadd.s32 v0, v14;
	vm6 =	vle.s32 v6, s16  }
0xe6: {  	_ = 	snop  }
0xe7: {  	v16, _, _ =	vpop (xrf0);
	v9 =	vnsel vm4, $0x0, v9;
	(xrf0) =	vadd.scan.msk.s32 $0xffff, v15  }
0xe8: {  	v43, _, _ =	vpop (xrf0);
	(xrf0) =	vadd.scan.msk.s32 $0xffff, v9  }
0xe9: {  	vm7 =	vgt.s32 v14, $0x0;
	vm5 =	vmand vm5, vm6;
	(v2sf) =	vpush v43, $0xF;
	v44, _, _ =	vpop (xrf0);
	(xrf0) =	vadd.scan.msk.s32 $0xffff, v13  }
0xea: {  	vm15 =	vmmov vm2;
	v10 =	vbroadcast v10, $0xF;
	(v2sf) =	vpush v44, $0xF  }
0xeb: {  	[tilespmem:v0+s25+$0x0] =	vst.idx.msk vm3, v12;
	s0 =	spop (v2sf);
	v45 =	vnsel vm7, $0x0, v14;
	v46 =	vbroadcast v16, $0xF;
	vm3 =	vmand vm0, vm5  }
0xec: {  	vm2 =	vmmov vm4;
	v11 =	vld.idx.msk [tilespmem:v11+s22+$0x0], $0xffff;
	s0 =	sadd.s32 s10, s0;
	v12 =	vmin.u32 v45, $0xC8;
	v10 =	vsub.s32 v10, v5  }
0xed: {  	s14 =	spop (v2sf);
	v47 =	vnsel vm15, $0x0, v7;
	v12 =	vadd.s32 v46, v12;
	v10 =	vadd.s32 s0, v10;
	v48, _, _ =	vpop (xrf0)  }
0xee: {  	vm9 =	vgt.s32 v6, s6;
	v8 =	vnsel vm2, $0x0, v8;
	s14 =	sadd.s32 s14, s6;
	v10 =	vadd.s32 v0, v10;
	(xrf0) =	vadd.scan.msk.s32 $0xffff, v47;
	v49, _, _ =	vpop (xrf0)  }
0xef: {  	vm10 =	vle.s32 v6, s14;
	vm11 =	vgt.s32 v10, $0x0;
	(v2sf) =	vpush v49, $0xF;
	v50, _, _ =	vpop (xrf0);
	(xrf0) =	vadd.scan.msk.s32 $0xffff, v8  }
0xf0: {  	vm4 =	vmand vm9, vm10;
	v51 =	vnsel vm11, $0x0, v10;
	(v2sf) =	vpush v50, $0xF  }
0xf1: {  	[tilespmem:v0+s25+$0x0] =	vst.idx.msk vm3, v11;
	v52 =	vbroadcast v48, $0xF;
	vm3 =	vmand vm0, vm4;
	v8 =	vbroadcast v44, $0xF  }
0xf2: {  	vm1 =	vmmov vm1;
	v9 =	vmin.u32 v51, $0xC8;
	v11 =	vld.idx.msk [tilespmem:v12+s22+$0x0], $0xffff;
	s21 =	spop (v2sf)  }
0xf3: {  	vm1 =	vmmov vm1;
	v9 =	vadd.s32 v52, v9;
	v8 =	vsub.s32 v8, v5;
	s6 =	sadd.s32 s10, s21;
	s24 =	spop (v2sf)  }
0xf4: {  	v53 =	vnsel vm1, $0x0, v7;
	vm1 =	vgt.s32 v6, s0;
	v8 =	vadd.s32 s6, v8;
	s14 =	sadd.s32 s24, s0;
	v54, _, _ =	vpop (xrf0)  }
0xf5: {  	v56 =	vbroadcast v50, $0xF;
	v8 =	vadd.s32 v0, v8;
	vm12 =	vle.s32 v6, s14;
	v55, _, _ =	vpop (xrf0)  }
0xf6: {  	(xrf0) =	vadd.scan.msk.s32 $0xffff, v53;
	vm13 =	vgt.s32 v8, $0x0;
	vm1 =	vmand vm1, vm12;
	(v2sf) =	vpush v55, $0xF  }
0xf7: {  	[tilespmem:v0+s25+$0x0] =	vst.idx.msk vm3, v11;
	v57 =	vbroadcast v54, $0xF;
	v8 =	vnsel vm13, $0x0, v8;
	vm1 =	vmand vm0, vm1  }
0xf8: {  	vm2 =	vmmov vm2;
	v9 =	vld.idx.msk [tilespmem:v9+s22+$0x0], $0xffff;
	v8 =	vmin.u32 v8, $0xC8;
	s16 =	spop (v2sf)  }
0xf9: {  	vm2 =	vmmov vm2;
	v10 =	vsub.s32 v56, v5;
	v8 =	vadd.s32 v57, v8;
	s0 =	sadd.s32 s10, s16;
	s19 =	spop (v2sf)  }
0xfa: {  	v7 =	vnsel vm2, $0x0, v7;
	v10 =	vadd.s32 s0, v10;
	s14 =	sadd.s32 s19, s6  }
0xfb: {  	vm2 =	vgt.s32 v6, s6;
	v10 =	vadd.s32 v0, v10;
	vm3 =	vle.s32 v6, s14  }
0xfc: {  	v60 =	vbroadcast v55, $0xF;
	v58, _, _ =	vpop (xrf0);
	(xrf0) =	vadd.scan.msk.s32 $0xffff, v7;
	vm14 =	vgt.s32 v10, $0x0;
	vm2 =	vmand vm2, vm3  }
0xfd: {  	v59 =	vbroadcast v58, $0xF;
	[tilespmem:v0+s25+$0x0] =	vst.idx.msk vm1, v9;
	v7 =	vnsel vm14, $0x0, v10;
	vm1 =	vmand vm0, vm2  }
0xfe: {  	v8 =	vld.idx.msk [tilespmem:v8+s22+$0x0], $0xffff;
	v7 =	vmin.u32 v7, $0xC8;
	s20 =	spop (v2sf)  }
0xff: {  	v61 =	vsub.s32 v60, v5;
	v7 =	vadd.s32 v59, v7;
	s6 =	sadd.s32 s10, s20;
	s21 =	spop (v2sf)  }
0x100: {  	v9 =	vadd.s32 s6, v61;
	s14 =	sadd.s32 s21, s0  }
0x101: {  	vm2 =	vgt.s32 v6, s0;
	v9 =	vadd.s32 v0, v9;
	vm3 =	vle.s32 v6, s14  }
0x102: {  	v62, _, _ =	vpop (xrf0);
	vm15 =	vgt.s32 v9, $0x0;
	vm2 =	vmand vm2, vm3  }
0x103: {  	v63 =	vbroadcast v62, $0xF;
	[tilespmem:v0+s25+$0x0] =	vst.idx.msk vm1, v8;
	v8 =	vnsel vm15, $0x0, v9;
	vm1 =	vmand vm0, vm2  }
0x104: {  	v7 =	vld.idx.msk [tilespmem:v7+s22+$0x0], $0xffff;
	v8 =	vmin.u32 v8, $0xC8  }
0x105: {  	v8 =	vadd.s32 v63, v8;
	s24 =	spop (v2sf)  }
0x106: {  	s0 =	sadd.s32 s24, s6  }
0x107: {  	vm2 =	vgt.s32 v6, s6;
	vm3 =	vle.s32 v6, s0  }
0x108: {  	p5 =	slt.s32 s12, $0x20;
	s10 =	sadd.s32 s10, s15;
	vm2 =	vmand vm2, vm3  }
0x109: {  	p6 =	slt.s32 @!p5 s10, s1;
	[tilespmem:v0+s25+$0x0] =	vst.idx.msk vm1, v7;
	vm1 =	vmand vm0, vm2  }
0x10a: {  	p5 =	por p5, !p6;
	v7 =	vld.idx.msk [tilespmem:v8+s22+$0x0], $0xffff  }
.Ltmp12:
0x10b: {  	_ = 	snop;
	(pc) =	sbr.rel @!p5 .LBB2_10-.Ltmp12, $2  }
0x10c: {  	_ =	sdelay $0x2  }
0x10d: {  	s12 =	smov.u32 s13;
	[tilespmem:v0+s25+$0x0] =	vst.idx.msk vm1, v7  }
.LBB2_13:
.Ltmp13:
0x10e: {  	(pc) =	sbr.rel .LBB2_14-.Ltmp13, $4  }
0x10f: {  	s0 =	sadd.s32 s3, s7  }
0x110: {  	s3 =	sand.u32 $0xFFFFFFF0, s7;
	s20 =	rddreg [dreg:$0xf];
	s0 =	sand.u32 $0xFFFFFFF0, s0  }
0x111: {  	s16 =	rddreg [dreg:$0xb];
	s15 =	simm.s32 $0x0;
	s0 =	simm.s32 @p4 $0xA1A5E0  }
0x112: {  	s10 =	simm.s32 $0x0;
	s13 =	simm.s32 $0x0;
	s6 =	ssub.s32 s0, s3  }
.LBB2_29:
0x113: {  	s13 =	sadd.s32 $0x1, s13  }
0x114: {  	p1 =	sne.s32 s13, $0x1A  }
.Ltmp14:
0x115: {  	_ = 	snop;
	(pc) =	sbr.rel @!p1 .LBB2_30-.Ltmp14, $2  }
0x116: {  	_ =	sdelay $0x2  }
0x117: {  	s16 =	sadd.s32 $0x80, s16;
	s20 =	sadd.s32 $0x20, s20;
	s1 =	smov.u32 s7  }
.LBB2_14:
0x118: {  	s0 =	sadd.s32 $0x800, s10  }
0x119: {  	p5 =	sle.s32 s0, s1;
	p6 =	sle.s32 s0, s6  }
0x11a: {  	p5 =	por !p5, !p6  }
0x11b: {  	p1 =	slt.s32 s15, $0x1;
	p6 =	por !p5, !p5  }
0x11c: {  	p5 =	por !p6, p1  }
0x11d: {  	s7 =	simm.s32 @!p5 $0x1  }
0x11e: {  	_ =	swait.ge @!p5 [sflag:s7], $0x800  }
0x11f: {  	s9 =	sadd.s32 @p6 s3, s10;
	[sflag:s7] =	ssyncset.done @!p5 $0x0  }
0x120: {  	[sflag:s7] =	ssyncadd.s32 @!p5 $0xFFFFF800;
	s7 =	sshrl.u32 @p6 s9, $0x3;
	s9 =	sand.u32 @p6 $0x7800, s10  }
0x121: {  	s12 =	simm.s32 @p6 $0x0;
	s7 =	sadd.s32 @p6 s2, s7;
	s9 =	sor.u32 @p6 $0x8200, s9  }
0x122: {  	[hbm4b:s7+s12] =	stream.linear.scatter @p6 [tilespmem:s9], [sflag:$0x1], $0x800, $0x38;
	[tilespmem:$0x10780] =	vst v63  }
0x123: {  	s7 =	sadd.s32 @p6 $0x1000, s10;
	s9 =	smov.u32 s0  }
0x124: {  	s9 =	smov.u32 @p6 s7  }
0x125: {  	p5 =	sle.s32 s9, s1;
	p1 =	sle.s32 s9, s6  }
0x126: {  	s15 =	simm.s32 @p6 $0x1;
	p1 =	por !p5, !p1  }
0x127: {  	p5 =	por !p1, !p1;
	p1 =	slt.s32 s15, $0x1  }
0x128: {  	p1 =	por !p5, p1  }
0x129: {  	s7 =	simm.s32 @!p1 $0x1  }
0x12a: {  	s10 =	smov.u32 @p6 s0;
	_ =	swait.ge @!p1 [sflag:s7], $0x800  }
0x12b: {  	s0 =	sadd.s32 @p5 s3, s10;
	[sflag:s7] =	ssyncset.done @!p1 $0x0  }
0x12c: {  	s0 =	sshrl.u32 @p5 s0, $0x3;
	[sflag:s7] =	ssyncadd.s32 @!p1 $0xFFFFF800;
	s7 =	sand.u32 @p5 $0x7800, s10  }
0x12d: {  	s12 =	simm.s32 @p5 $0x0;
	s0 =	sadd.s32 @p5 s2, s0;
	s7 =	sor.u32 @p5 $0x8200, s7  }
0x12e: {  	[hbm4b:s0+s12] =	stream.linear.scatter @p5 [tilespmem:s7], [sflag:$0x1], $0x800, $0x38;
	[tilespmem:$0x10780] =	vst v63  }
0x12f: {  	[tilespmem:$0x10500] =	vst v2  }
0x130: {  	[tilespmem:$0x10510] =	vst v2  }
0x131: {  	[tilespmem:$0x10520] =	vst v2  }
0x132: {  	[tilespmem:$0x10530] =	vst v2  }
0x133: {  	[tilespmem:$0x10540] =	vst v2  }
0x134: {  	[tilespmem:$0x10550] =	vst v2  }
0x135: {  	[tilespmem:$0x10560] =	vst v2  }
0x136: {  	[tilespmem:$0x10570] =	vst v2  }
0x137: {  	[tilespmem:$0x10580] =	vst v2  }
0x138: {  	[tilespmem:$0x10590] =	vst v2  }
0x139: {  	[tilespmem:$0x105A0] =	vst v2  }
0x13a: {  	[tilespmem:$0x105B0] =	vst v2  }
0x13b: {  	[tilespmem:$0x105C0] =	vst v2  }
0x13c: {  	[tilespmem:$0x105D0] =	vst v2  }
0x13d: {  	[tilespmem:$0x105E0] =	vst v2  }
0x13e: {  	s21 =	sand.u32 $0x1FFFFFF0, s20;
	[tilespmem:$0x105F0] =	vst v2  }
0x13f: {  	v5 =	vld [tilespmem:s21+$0x0];
	_ =	sdelay $0x2  }
0x140: {  	s24 =	simm.s32 $0x0  }
0x141: {  	s0 =	sand.u32 $0x18, s24  }
0x142: {  	v5 =	vshra.s32 v5, s0  }
0x143: {  	v5 =	vand.u32 $0xFF, v5  }
0x144: {  	(xrf0) =	vadd.scan.msk.s32 $0xffff, v5;
	_ =	sdelay $0x5  }
0x145: {  	v6, _, _ =	vpop (xrf0)  }
0x146: {  	v7 =	vxor.u32 $0x80000000, v6  }
0x147: {  	(xrf0) =	vmax.scan.msk.u32 $0xffff, v7  }
0x148: {  	v8 =	vmov s16;
	v7 =	vshrl.u32 v5, $0x4  }
0x149: {  	s14 =	simm.s32 $0x10200;
	v8 =	vshra.s32 v8, $0xC;
	v9 =	vsub.s32 s1, v5;
	v7 =	vor.u32 v3, v7  }
0x14a: {  	v8 =	vshll.u32 v8, $0x8;
	[tilespmem:s14+$0x0] =	vst v5;
	v5 =	vadd.s32 v6, v9  }
0x14b: {  	s10 =	smov.u32 @p5 s9;
	s9 =	simm.s32 $0x10280;
	v6 =	vbroadcast v8, $0x0  }
0x14c: {  	s18 =	sadd.s32 $0x4, s20;
	s7 =	simm.s32 $0x10300;
	[tilespmem:s9+$0x0] =	vst v5  }
0x14d: {  	s19 =	simm.s32 $0x8;
	s17 =	smov.u32 s16;
	s15 =	simm.s32 @p5 $0x1;
	[tilespmem:s7+$0x0] =	vst v6;
	v5, _, _ =	vpop (xrf0)  }
0x14e: {  	s12 =	sand.u32 $0x1FFFFFF0, s18;
	s24 =	simm.s32 $0x10;
	s0 =	smov.u32 s1;
	[tilespmem:v7+s26+$0x0] =	vst.idx.add.s32.msk $0xffff, v4;
	(v2sf) =	vpush v5, $0xF  }
.LBB2_15:
0x14f: {  	p5 =	seq.s32 s24, $0x38;
	v5 =	vld [tilespmem:s12+$0x0];
	_ =	sdelay $0x3  }
0x150: {  	s12 =	sand.u32 $0x18, s19;
	s19 =	smov.u32 s24  }
0x151: {  	v5 =	vshra.s32 v5, s12  }
0x152: {  	s14 =	sadd.s32 $0x10, s14;
	v5 =	vand.u32 $0xFF, v5  }
0x153: {  	[tilespmem:s14+$0x0] =	vst v5;
	v6 =	vshrl.u32 v5, $0x4;
	(xrf0) =	vadd.scan.msk.s32 $0xffff, v5;
	_ =	sdelay $0x5  }
0x154: {  	v7, _, _ =	vpop (xrf0)  }
0x155: {  	s17 =	sadd.s32 $0x10, s17;
	v8 =	vxor.u32 $0x80000000, v7;
	s12 =	spop (v2sf)  }
0x156: {  	v9 =	vmov s17;
	(xrf0) =	vmax.scan.msk.u32 $0xffff, v8;
	s0 =	sadd.s32 s12, s0  }
0x157: {  	v6 =	vor.u32 v3, v6;
	v8 =	vshra.s32 v9, $0xC;
	s0 =	sadd.s32 $0x80000000, s0  }
0x158: {  	v8 =	vshll.u32 v8, $0x8;
	v5 =	vsub.s32 s0, v5  }
.Ltmp15:
0x159: {  	s9 =	sadd.s32 $0x10, s9;
	v5 =	vadd.s32 v7, v5;
	v7 =	vbroadcast v8, $0x0;
	(pc) =	sbr.rel @!p5 .LBB2_15-.Ltmp15, $4  }
0x15a: {  	s7 =	sadd.s32 $0x10, s7;
	[tilespmem:s9+$0x0] =	vst v5  }
0x15b: {  	[tilespmem:s7+$0x0] =	vst v7  }
0x15c: {  	s18 =	sadd.s32 $0x4, s18;
	[tilespmem:v6+s26+$0x0] =	vst.idx.add.s32.msk $0xffff, v4;
	v5, _, _ =	vpop (xrf0)  }
0x15d: {  	s24 =	sadd.s32 $0x8, s24;
	s12 =	sand.u32 $0x1FFFFFF0, s18;
	(v2sf) =	vpush v5, $0xF  }
0x15e: {  	v5 =	vld [tilespmem:s12+$0x0];
	_ =	sdelay $0x3  }
0x15f: {  	s18 =	sand.u32 $0x18, s19  }
0x160: {  	v5 =	vshra.s32 v5, s18  }
0x161: {  	v5 =	vand.u32 $0xFF, v5  }
0x162: {  	(xrf0) =	vadd.scan.msk.s32 $0xffff, v5;
	_ =	sdelay $0x5  }
0x163: {  	v6, _, _ =	vpop (xrf0)  }
0x164: {  	v7 =	vxor.u32 $0x80000000, v6  }
0x165: {  	(xrf0) =	vmax.scan.msk.u32 $0xffff, v7;
	_ =	sdelay $0x5  }
0x166: {  	s17 =	sadd.s32 $0x10, s17;
	s19 =	spop (v2sf);
	v7, _, _ =	vpop (xrf0)  }
0x167: {  	v8 =	vmov s17;
	s0 =	sadd.s32 s19, s0;
	(v2sf) =	vpush v7, $0xF;
	v7 =	vshrl.u32 v5, $0x4  }
0x168: {  	v8 =	vshra.s32 v8, $0xC;
	s0 =	sadd.s32 $0x80000000, s0;
	v7 =	vor.u32 v3, v7  }
0x169: {  	s21 =	sadd.s32 $0x10, s14;
	v8 =	vshll.u32 v8, $0x8;
	v9 =	vsub.s32 s0, v5  }
0x16a: {  	s9 =	sadd.s32 $0x10, s9;
	[tilespmem:s21+$0x0] =	vst v5;
	v5 =	vadd.s32 v6, v9;
	v6 =	vbroadcast v8, $0x0  }
0x16b: {  	s7 =	sadd.s32 $0x10, s7;
	[tilespmem:s9+$0x0] =	vst v5  }
0x16c: {  	[tilespmem:s7+$0x0] =	vst v6  }
0x16d: {  	[tilespmem:v7+s26+$0x0] =	vst.idx.add.s32.msk $0xffff, v4  }
0x16e: {  	v5 =	vld [tilespmem:$0x10500]  }
0x16f: {  	v6 =	vld [tilespmem:$0x10510]  }
0x170: {  	v7 =	vld [tilespmem:$0x10520]  }
0x171: {  	v45 =	vld [tilespmem:$0x10530]  }
0x172: {  	v46 =	vld [tilespmem:$0x10540]  }
0x173: {  	v10 =	vld [tilespmem:$0x10550]  }
0x174: {  	v5 =	vadd.s32 v5, v6;
	v6 =	vld [tilespmem:$0x10560]  }
0x175: {  	v5 =	vadd.s32 v5, v7;
	v7 =	vld [tilespmem:$0x10570]  }
0x176: {  	v47 =	vld [tilespmem:$0x10580];
	v5 =	vadd.s32 v5, v45  }
0x177: {  	v48 =	vld [tilespmem:$0x10590];
	v5 =	vadd.s32 v5, v46  }
0x178: {  	v49 =	vld [tilespmem:$0x105A0];
	v5 =	vadd.s32 v5, v10  }
0x179: {  	v5 =	vadd.s32 v5, v6;
	v6 =	vld [tilespmem:$0x105B0]  }
0x17a: {  	v5 =	vadd.s32 v5, v7;
	v7 =	vld [tilespmem:$0x105C0]  }
0x17b: {  	v50 =	vld [tilespmem:$0x105D0];
	v5 =	vadd.s32 v5, v47  }
0x17c: {  	v51 =	vld [tilespmem:$0x105E0];
	v5 =	vadd.s32 v5, v48  }
0x17d: {  	v52 =	vld [tilespmem:$0x105F0];
	v5 =	vadd.s32 v5, v49  }
0x17e: {  	v5 =	vadd.s32 v5, v6  }
0x17f: {  	v5 =	vadd.s32 v5, v7  }
0x180: {  	v5 =	vadd.s32 v5, v50  }
0x181: {  	v5 =	vadd.s32 v5, v51  }
0x182: {  	v5 =	vadd.s32 v5, v52  }
0x183: {  	(xrf0) =	vadd.scan.msk.s32 $0xffff, v5;
	_ =	sdelay $0x1  }
0x184: {  	v53 =	vld [tilespmem:$0x10520]  }
0x185: {  	v6 =	vld [tilespmem:$0x10500]  }
0x186: {  	v7 =	vld [tilespmem:$0x10510]  }
0x187: {  	v54 =	vld [tilespmem:$0x10530]  }
0x188: {  	v11 =	vld [tilespmem:$0x10540];
	v55, _, _ =	vpop (xrf0)  }
0x189: {  	v56 =	vld [tilespmem:$0x10550];
	v5 =	vsub.s32 v55, v5  }
0x18a: {  	v57 =	vld [tilespmem:$0x10580];
	[tilespmem:$0x10600] =	vst v5;
	v5 =	vadd.s32 v5, v6  }
0x18b: {  	v6 =	vld [tilespmem:$0x10560];
	[tilespmem:$0x10610] =	vst v5;
	v5 =	vadd.s32 v5, v7  }
0x18c: {  	v7 =	vld [tilespmem:$0x10570];
	[tilespmem:$0x10620] =	vst v5;
	v5 =	vadd.s32 v5, v53  }
0x18d: {  	v58 =	vld [tilespmem:$0x10590];
	[tilespmem:$0x10630] =	vst v5;
	v5 =	vadd.s32 v5, v54  }
0x18e: {  	v59 =	vld [tilespmem:$0x105A0];
	[tilespmem:$0x10640] =	vst v5;
	v5 =	vadd.s32 v5, v11  }
0x18f: {  	v60 =	vld [tilespmem:$0x10200];
	[tilespmem:$0x10650] =	vst v5;
	v5 =	vadd.s32 v5, v56  }
0x190: {  	[tilespmem:$0x10660] =	vst v5;
	v5 =	vadd.s32 v5, v6;
	v6 =	vld [tilespmem:$0x105B0]  }
0x191: {  	[tilespmem:$0x10670] =	vst v5;
	v5 =	vadd.s32 v5, v7;
	v7 =	vld [tilespmem:$0x105C0]  }
0x192: {  	v61 =	vld [tilespmem:$0x105D0];
	[tilespmem:$0x10680] =	vst v5;
	v5 =	vadd.s32 v5, v57  }
0x193: {  	v62 =	vld [tilespmem:$0x105E0];
	[tilespmem:$0x10690] =	vst v5;
	v5 =	vadd.s32 v5, v58  }
0x194: {  	v63 =	vshra.s32 v60, $0x4;
	[tilespmem:$0x106A0] =	vst v5;
	v5 =	vadd.s32 v5, v59  }
0x195: {  	[tilespmem:$0x106B0] =	vst v5;
	v5 =	vadd.s32 v5, v6;
	v6 =	vadd.s32 v3, v63  }
0x196: {  	[tilespmem:$0x106C0] =	vst v5;
	v5 =	vadd.s32 v5, v7  }
0x197: {  	[tilespmem:$0x106D0] =	vst v5;
	v5 =	vadd.s32 v5, v61  }
0x198: {  	[tilespmem:$0x106E0] =	vst v5;
	v5 =	vadd.s32 v5, v62  }
0x199: {  	[tilespmem:$0x106F0] =	vst v5  }
0x19a: {  	v5 =	vld.idx.msk [tilespmem:v6+s28+$0x0], $0xffff;
	_ =	sdelay $0x6  }
0x19b: {  	[tilespmem:v6+s28+$0x0] =	vst.idx.add.s32.msk $0xffff, v4  }
0x19c: {  	[tilespmem:v5+s29+$0x0] =	vst.idx.msk $0xffff, v60  }
0x19d: {  	v6 =	vld [tilespmem:$0x10280];
	_ =	sdelay $0x4  }
0x19e: {  	[tilespmem:v5+s30+$0x0] =	vst.idx.msk $0xffff, v6  }
0x19f: {  	v6 =	vld [tilespmem:$0x10300];
	_ =	sdelay $0x4  }
0x1a0: {  	[tilespmem:v5+s31+$0x0] =	vst.idx.msk $0xffff, v6  }
0x1a1: {  	v5 =	vld [tilespmem:$0x10210];
	_ =	sdelay $0x4  }
0x1a2: {  	v6 =	vshra.s32 v5, $0x4  }
0x1a3: {  	v6 =	vadd.s32 v3, v6;
	_ =	sdelay $0x4  }
0x1a4: {  	v7 =	vld.idx.msk [tilespmem:v6+s28+$0x0], $0xffff;
	_ =	sdelay $0x6  }
0x1a5: {  	[tilespmem:v6+s28+$0x0] =	vst.idx.add.s32.msk $0xffff, v4  }
0x1a6: {  	[tilespmem:v7+s29+$0x0] =	vst.idx.msk $0xffff, v5  }
0x1a7: {  	v5 =	vld [tilespmem:$0x10290];
	_ =	sdelay $0x4  }
0x1a8: {  	[tilespmem:v7+s30+$0x0] =	vst.idx.msk $0xffff, v5  }
0x1a9: {  	v5 =	vld [tilespmem:$0x10310];
	_ =	sdelay $0x4  }
0x1aa: {  	[tilespmem:v7+s31+$0x0] =	vst.idx.msk $0xffff, v5  }
0x1ab: {  	v5 =	vld [tilespmem:$0x10220];
	_ =	sdelay $0x4  }
0x1ac: {  	v6 =	vshra.s32 v5, $0x4  }
0x1ad: {  	v6 =	vadd.s32 v3, v6;
	_ =	sdelay $0x4  }
0x1ae: {  	v7 =	vld.idx.msk [tilespmem:v6+s28+$0x0], $0xffff;
	_ =	sdelay $0x6  }
0x1af: {  	[tilespmem:v6+s28+$0x0] =	vst.idx.add.s32.msk $0xffff, v4  }
0x1b0: {  	[tilespmem:v7+s29+$0x0] =	vst.idx.msk $0xffff, v5  }
0x1b1: {  	v5 =	vld [tilespmem:$0x102A0];
	_ =	sdelay $0x4  }
0x1b2: {  	[tilespmem:v7+s30+$0x0] =	vst.idx.msk $0xffff, v5  }
0x1b3: {  	v5 =	vld [tilespmem:$0x10320];
	_ =	sdelay $0x4  }
0x1b4: {  	[tilespmem:v7+s31+$0x0] =	vst.idx.msk $0xffff, v5  }
0x1b5: {  	v5 =	vld [tilespmem:$0x10230];
	_ =	sdelay $0x4  }
0x1b6: {  	v6 =	vshra.s32 v5, $0x4  }
0x1b7: {  	v6 =	vadd.s32 v3, v6;
	_ =	sdelay $0x4  }
0x1b8: {  	v7 =	vld.idx.msk [tilespmem:v6+s28+$0x0], $0xffff;
	_ =	sdelay $0x6  }
0x1b9: {  	[tilespmem:v6+s28+$0x0] =	vst.idx.add.s32.msk $0xffff, v4  }
0x1ba: {  	[tilespmem:v7+s29+$0x0] =	vst.idx.msk $0xffff, v5  }
0x1bb: {  	v5 =	vld [tilespmem:$0x102B0];
	_ =	sdelay $0x4  }
0x1bc: {  	[tilespmem:v7+s30+$0x0] =	vst.idx.msk $0xffff, v5  }
0x1bd: {  	v5 =	vld [tilespmem:$0x10330];
	_ =	sdelay $0x4  }
0x1be: {  	[tilespmem:v7+s31+$0x0] =	vst.idx.msk $0xffff, v5  }
0x1bf: {  	v5 =	vld [tilespmem:$0x10240];
	_ =	sdelay $0x4  }
0x1c0: {  	v6 =	vshra.s32 v5, $0x4  }
0x1c1: {  	v6 =	vadd.s32 v3, v6;
	_ =	sdelay $0x4  }
0x1c2: {  	v7 =	vld.idx.msk [tilespmem:v6+s28+$0x0], $0xffff;
	_ =	sdelay $0x6  }
0x1c3: {  	[tilespmem:v6+s28+$0x0] =	vst.idx.add.s32.msk $0xffff, v4  }
0x1c4: {  	[tilespmem:v7+s29+$0x0] =	vst.idx.msk $0xffff, v5  }
0x1c5: {  	v5 =	vld [tilespmem:$0x102C0];
	_ =	sdelay $0x4  }
0x1c6: {  	[tilespmem:v7+s30+$0x0] =	vst.idx.msk $0xffff, v5  }
0x1c7: {  	v5 =	vld [tilespmem:$0x10340];
	_ =	sdelay $0x4  }
0x1c8: {  	[tilespmem:v7+s31+$0x0] =	vst.idx.msk $0xffff, v5  }
0x1c9: {  	v5 =	vld [tilespmem:$0x10250];
	_ =	sdelay $0x4  }
0x1ca: {  	v6 =	vshra.s32 v5, $0x4  }
0x1cb: {  	v6 =	vadd.s32 v3, v6;
	_ =	sdelay $0x4  }
0x1cc: {  	v7 =	vld.idx.msk [tilespmem:v6+s28+$0x0], $0xffff;
	_ =	sdelay $0x6  }
0x1cd: {  	[tilespmem:v6+s28+$0x0] =	vst.idx.add.s32.msk $0xffff, v4  }
0x1ce: {  	[tilespmem:v7+s29+$0x0] =	vst.idx.msk $0xffff, v5  }
0x1cf: {  	v5 =	vld [tilespmem:$0x102D0];
	_ =	sdelay $0x4  }
0x1d0: {  	[tilespmem:v7+s30+$0x0] =	vst.idx.msk $0xffff, v5  }
0x1d1: {  	v5 =	vld [tilespmem:$0x10350];
	_ =	sdelay $0x4  }
0x1d2: {  	[tilespmem:v7+s31+$0x0] =	vst.idx.msk $0xffff, v5  }
0x1d3: {  	v5 =	vld [tilespmem:$0x10260];
	_ =	sdelay $0x4  }
0x1d4: {  	v6 =	vshra.s32 v5, $0x4  }
0x1d5: {  	v6 =	vadd.s32 v3, v6;
	_ =	sdelay $0x4  }
0x1d6: {  	v7 =	vld.idx.msk [tilespmem:v6+s28+$0x0], $0xffff;
	_ =	sdelay $0x6  }
0x1d7: {  	[tilespmem:v6+s28+$0x0] =	vst.idx.add.s32.msk $0xffff, v4  }
0x1d8: {  	[tilespmem:v7+s29+$0x0] =	vst.idx.msk $0xffff, v5  }
0x1d9: {  	v5 =	vld [tilespmem:$0x102E0];
	_ =	sdelay $0x4  }
0x1da: {  	[tilespmem:v7+s30+$0x0] =	vst.idx.msk $0xffff, v5  }
0x1db: {  	v5 =	vld [tilespmem:$0x10360];
	_ =	sdelay $0x4  }
0x1dc: {  	[tilespmem:v7+s31+$0x0] =	vst.idx.msk $0xffff, v5  }
0x1dd: {  	v5 =	vld [tilespmem:$0x10270];
	_ =	sdelay $0x4  }
0x1de: {  	v6 =	vshra.s32 v5, $0x4  }
0x1df: {  	v6 =	vadd.s32 v3, v6;
	_ =	sdelay $0x4  }
0x1e0: {  	v7 =	vld.idx.msk [tilespmem:v6+s28+$0x0], $0xffff;
	_ =	sdelay $0x6  }
0x1e1: {  	[tilespmem:v6+s28+$0x0] =	vst.idx.add.s32.msk $0xffff, v4  }
0x1e2: {  	[tilespmem:v7+s29+$0x0] =	vst.idx.msk $0xffff, v5  }
0x1e3: {  	v5 =	vld [tilespmem:$0x102F0];
	_ =	sdelay $0x4  }
0x1e4: {  	[tilespmem:v7+s30+$0x0] =	vst.idx.msk $0xffff, v5  }
0x1e5: {  	v5 =	vld [tilespmem:$0x10370]  }
.Ltmp16:
0x1e6: {  	_ = 	snop;
	(pc) =	sbr.rel .LBB2_17-.Ltmp16, $4  }
0x1e7: {  	_ = 	snop  }
0x1e8: {  	s24 =	spop (v2sf)  }
0x1e9: {  	p1 =	slt.s32 s1, s6;
	s9 =	smov.u32 s6;
	s0 =	sadd.s32 s24, s0  }
0x1ea: {  	s9 =	smov.u32 @p1 s1;
	s1 =	simm.s32 $0x0;
	s7 =	sadd.s32 $0x80000000, s0;
	[tilespmem:v7+s31+$0x0] =	vst.idx.msk $0xffff, v5  }
.LBB2_28:
0x1eb: {  	s0 =	sadd.s32 $0x800, s10;
	p1 =	slt.s32 s15, $0x1  }
0x1ec: {  	p5 =	sgt.s32 @!p1 s0, s9  }
0x1ed: {  	p1 =	por p5, p1  }
0x1ee: {  	s12 =	simm.s32 @!p1 $0x1  }
0x1ef: {  	p5 =	sgt.s32 s0, s9;
	_ =	swait.ge @!p1 [sflag:s12], $0x800  }
0x1f0: {  	s14 =	sadd.s32 @!p5 s3, s10;
	[sflag:s12] =	ssyncset.done @!p1 $0x0  }
0x1f1: {  	[sflag:s12] =	ssyncadd.s32 @!p1 $0xFFFFF800;
	s12 =	sshrl.u32 @!p5 s14, $0x3;
	s14 =	sand.u32 @!p5 $0x7800, s10  }
0x1f2: {  	s17 =	simm.s32 @!p5 $0x0;
	s12 =	sadd.s32 @!p5 s2, s12;
	s14 =	sor.u32 @!p5 $0x8200, s14  }
0x1f3: {  	[hbm4b:s12+s17] =	stream.linear.scatter @!p5 [tilespmem:s14], [sflag:$0x1], $0x800, $0x38;
	[tilespmem:$0x10780] =	vst v63  }
0x1f4: {  	s15 =	simm.s32 @!p5 $0x1;
	s12 =	sadd.s32 @!p5 $0x1000, s10  }
0x1f5: {  	p1 =	slt.s32 s15, $0x1;
	s12 =	smov.u32 @p5 s0  }
0x1f6: {  	p6 =	sgt.s32 @!p1 s12, s9  }
0x1f7: {  	p1 =	por p6, p1  }
0x1f8: {  	s14 =	simm.s32 @!p1 $0x1  }
0x1f9: {  	s1 =	sadd.s32 $0x1, s1;
	_ =	swait.ge @!p1 [sflag:s14], $0x800  }
0x1fa: {  	s0 =	smov.u32 @p5 s10;
	p5 =	sgt.s32 s12, s9;
	[sflag:s14] =	ssyncset.done @!p1 $0x0  }
0x1fb: {  	s10 =	sadd.s32 @!p5 s3, s0;
	[sflag:s14] =	ssyncadd.s32 @!p1 $0xFFFFF800;
	p1 =	sne.s32 s1, $0x8  }
.Ltmp17:
0x1fc: {  	s10 =	sshrl.u32 @!p5 s10, $0x3;
	s14 =	sand.u32 @!p5 $0x7800, s0;
	(pc) =	sbr.rel @!p1 .LBB2_29-.Ltmp17, $4  }
0x1fd: {  	s17 =	simm.s32 @!p5 $0x0;
	s10 =	sadd.s32 @!p5 s2, s10;
	s14 =	sor.u32 @!p5 $0x8200, s14  }
0x1fe: {  	[hbm4b:s10+s17] =	stream.linear.scatter @!p5 [tilespmem:s14], [sflag:$0x1], $0x800, $0x38;
	[tilespmem:$0x10780] =	vst v63  }
0x1ff: {  	s10 =	smov.u32 s12  }
0x200: {  	s15 =	simm.s32 @!p5 $0x1;
	s10 =	smov.u32 @p5 s0  }
.LBB2_17:
0x201: {  	s0 =	sshll.u32 s1, $0x4  }
0x202: {  	v5 =	vld [tilespmem:s0+$0x10380];
	_ =	sdelay $0x4  }
0x203: {  	v6 =	vxor.u32 $0x80000000, v5  }
0x204: {  	(xrf0) =	vmax.scan.msk.u32 $0xffff, v6;
	_ =	sdelay $0x5  }
0x205: {  	v6, _, _ =	vpop (xrf0)  }
0x206: {  	(v2sf) =	vpush v6, $0xF;
	_ =	sdelay $0xe  }
0x207: {  	s12 =	spop (v2sf)  }
0x208: {  	s17 =	sxor.u32 $0x80000000, s12  }
0x209: {  	s12 =	sshra.s32 s17, $0x1F  }
0x20a: {  	s12 =	sshrl.u32 s12, $0x1E  }
0x20b: {  	s12 =	sadd.s32 s12, s17  }
0x20c: {  	s14 =	sand.u32 $0xFFFFFFFC, s12  }
0x20d: {  	p1 =	slt.s32 s14, $0x1  }
.Ltmp18:
0x20e: {  	v7 =	vld [tilespmem:s0+$0x10480];
	(pc) =	sbr.rel @p1 .LBB2_25-.Ltmp18, $1  }
0x20f: {  	v6 =	vld [tilespmem:s0+$0x10400];
	_ =	sdelay $0x3  }
0x210: {  	p1 =	sgt.s32 s14, $0x4  }
.Ltmp19:
0x211: {  	_ = 	snop;
	(pc) =	sbr.rel @!p1 .LBB2_19-.Ltmp19, $4  }
0x212: {  	_ = 	snop  }
0x213: {  	s21 =	simm.s32 $0x0;
	s12 =	simm.s32 $0x3  }
0x214: {  	s18 =	simm.s32 $0x2;
	s19 =	simm.s32 $0x1;
	v17 =	vadd.s32 s21, v7;
	v18 =	vadd.s32 s12, v7  }
0x215: {  	s0 =	simm.s32 $0x4;
	p5 =	por $0x0, $0x0;
	v10 =	vadd.s32 s18, v7;
	v8 =	vadd.s32 s19, v7;
	v19 =	vadd.s32 s21, v6  }
0x216: {  	_ =	sdelay $0x3  }
0x217: {  	vm3 =	vgt.s32 v5, s21;
	v20 =	vld.idx.msk [tilespmem:v17+s22+$0x0], $0xffff;
	v21 =	vand.u32 $0x7FFF, v19;
	v17 =	vadd.s32 s0, v7  }
0x218: {  	v11 =	vadd.s32 s12, v6;
	v12 =	vadd.s32 s18, v6;
	vm1 =	vgt.s32 v5, s12;
	p1 =	sgt.s32 s14, $0x8  }
.Ltmp20:
0x219: {  	s24 =	simm.s32 $0x7;
	vm0 =	vgt.s32 v5, s18;
	v13 =	vand.u32 $0x7FFF, v11;
	v14 =	vand.u32 $0x7FFF, v12;
	v12 =	vld.idx.msk [tilespmem:v18+s22+$0x0], $0xffff;
	(pc) =	sbr.rel @!p1 .LBB2_35-.Ltmp20, $4  }
0x21a: {  	v9 =	vld.idx.msk [tilespmem:v10+s22+$0x0], $0xffff;
	s18 =	simm.s32 $0x6;
	v15 =	vadd.s32 s24, v7  }
0x21b: {  	v10 =	vadd.s32 s18, v7  }
0x21c: {  	v16 =	vadd.s32 s19, v6;
	vm2 =	vgt.s32 v5, s19;
	s19 =	simm.s32 $0x5  }
0x21d: {  	s12 =	simm.s32 $0x8;
	v19 =	vadd.s32 s0, v6;
	p5 =	por $0x1, $0x1;
	v11 =	vld.idx.msk [tilespmem:v8+s22+$0x0], $0xffff;
	v16 =	vand.u32 $0x7FFF, v16;
	v8 =	vadd.s32 s19, v7;
	[tilespmem:v21+s25+$0x0] =	vst.idx.msk vm3, v20  }
.LBB2_36:
0x21e: {  	s21 =	sadd.s32 $0x3, s12;
	v18 =	vld.idx.msk [tilespmem:v17+s22+$0x0], $0xffff;
	v17 =	vadd.s32 s12, v7;
	vm3 =	vgt.s32 v5, s0;
	v20 =	vand.u32 $0x7FFF, v19;
	[tilespmem:v13+s25+$0x0] =	vst.idx.msk vm1, v12;
	s0 =	smov.u32 s12  }
0x21f: {  	v13 =	vadd.s32 s24, v6;
	vm1 =	vgt.s32 v5, s24;
	v12 =	vld.idx.msk [tilespmem:v15+s22+$0x0], $0xffff;
	v15 =	vadd.s32 s21, v7;
	[tilespmem:v14+s25+$0x0] =	vst.idx.msk vm0, v9;
	s24 =	smov.u32 s21  }
0x220: {  	vm0 =	vgt.s32 v5, s18;
	v9 =	vld.idx.msk [tilespmem:v10+s22+$0x0], $0xffff;
	v10 =	vadd.s32 s18, v6;
	s18 =	sadd.s32 $0x2, s12;
	s12 =	sadd.s32 $0x4, s12  }
0x221: {  	p1 =	slt.s32 s12, s14  }
.Ltmp21:
0x222: {  	v13 =	vand.u32 $0x7FFF, v13;
	[tilespmem:v16+s25+$0x0] =	vst.idx.msk vm2, v11;
	(pc) =	sbr.rel @p1 .LBB2_36-.Ltmp21, $4  }
0x223: {  	vm2 =	vgt.s32 v5, s19;
	v11 =	vld.idx.msk [tilespmem:v8+s22+$0x0], $0xffff;
	v8 =	vadd.s32 s19, v6;
	v14 =	vand.u32 $0x7FFF, v10  }
0x224: {  	s19 =	sadd.s32 $0x1, s0;
	v10 =	vadd.s32 s18, v7;
	v16 =	vand.u32 $0x7FFF, v8  }
0x225: {  	v8 =	vadd.s32 s19, v7  }
0x226: {  	v19 =	vadd.s32 s0, v6;
	[tilespmem:v20+s25+$0x0] =	vst.idx.msk vm3, v18  }
0x227: {  	s21 =	smov.u32 s0;
	v18 =	vmov v15;
	s12 =	smov.u32 s24  }
.LBB2_38:
0x228: {  	_ =	sdelay $0x2  }
0x229: {  	vm3 =	vgt.s32 v5, s21  }
0x22a: {  	v15 =	vld.idx.msk [tilespmem:v17+s22+$0x0], $0xffff;
	v59 =	vand.u32 $0x7FFF, v19;
	v60 =	vadd.s32 s12, v6;
	vm4 =	vgt.s32 v5, s12  }
0x22b: {  	v18 =	vld.idx.msk [tilespmem:v18+s22+$0x0], $0xffff;
	v20 =	vadd.s32 s18, v6;
	vm5 =	vgt.s32 v5, s18;
	v19 =	vand.u32 $0x7FFF, v60  }
0x22c: {  	[tilespmem:v13+s25+$0x0] =	vst.idx.msk @p5 vm1, v12;
	v10 =	vld.idx.msk [tilespmem:v10+s22+$0x0], $0xffff;
	v61 =	vadd.s32 s19, v6;
	vm15 =	vgt.s32 v5, s19;
	v62 =	vand.u32 $0x7FFF, v20  }
0x22d: {  	[tilespmem:v14+s25+$0x0] =	vst.idx.msk @p5 vm0, v9;
	v8 =	vld.idx.msk [tilespmem:v8+s22+$0x0], $0xffff;
	v63 =	vand.u32 $0x7FFF, v61  }
0x22e: {  	[tilespmem:v16+s25+$0x0] =	vst.idx.msk @p5 vm2, v11  }
0x22f: {  	[tilespmem:v59+s25+$0x0] =	vst.idx.msk vm3, v15  }
0x230: {  	[tilespmem:v19+s25+$0x0] =	vst.idx.msk vm4, v18  }
0x231: {  	[tilespmem:v62+s25+$0x0] =	vst.idx.msk vm5, v10  }
0x232: {  	[tilespmem:v63+s25+$0x0] =	vst.idx.msk vm15, v8  }
.LBB2_25:
0x233: {  	p1 =	sge.s32 s14, s17  }
.Ltmp22:
0x234: {  	_ = 	snop;
	(pc) =	sbr.rel @p1 .LBB2_28-.Ltmp22, $1  }
0x235: {  	_ =	sdelay $0x3  }
0x236: {  	s0 =	ssub.s32 s17, s14  }
0x237: {  	s0 =	ssub.s32 $0x0, s0  }
.LBB2_27:
0x238: {  	s12 =	sadd.s32 s0, s17  }
0x239: {  	v8 =	vadd.s32 s12, v7;
	_ =	sdelay $0x3  }
0x23a: {  	s0 =	sadd.s32 $0x1, s0;
	v9 =	vadd.s32 s12, v6;
	vm0 =	vgt.s32 v5, s12  }
0x23b: {  	p1 =	seq.s32 s0, $0x0;
	v9 =	vand.u32 $0x7FFF, v9;
	v8 =	vld.idx.msk [tilespmem:v8+s22+$0x0], $0xffff  }
.Ltmp23:
0x23c: {  	_ = 	snop;
	(pc) =	sbr.rel @!p1 .LBB2_27-.Ltmp23, $2  }
0x23d: {  	_ =	sdelay $0x2  }
0x23e: {  	[tilespmem:v9+s25+$0x0] =	vst.idx.msk vm0, v8  }
.Ltmp24:
0x23f: {  	_ = 	snop;
	(pc) =	sbr.rel .LBB2_28-.Ltmp24, $1  }
0x240: {  	_ =	sdelay $0x3  }
.LBB2_19:
.Ltmp25:
0x241: {  	(pc) =	sbr.rel .LBB2_38-.Ltmp25, $2  }
0x242: {  	_ =	sdelay $0x2  }
0x243: {  	_ = 	snop  }
.LBB2_35:
.Ltmp26:
0x244: {  	(pc) =	sbr.rel .LBB2_38-.Ltmp26, $2  }
0x245: {  	_ =	sdelay $0x2  }
0x246: {  	s21 =	simm.s32 $0x4;
	v18 =	vmov v15;
	s12 =	simm.s32 $0x7  }
.LBB2_30:
0x247: {  	p1 =	slt.s32 s15, $0x1  }
0x248: {  	s1 =	ssub.s32 s6, s10;
	s0 =	simm.s32 @!p1 $0x1  }
0x249: {  	p5 =	slt.s32 s1, $0x800;
	_ =	swait.ge @!p1 [sflag:s0], $0x800  }
0x24a: {  	s7 =	sadd.s32 @!p5 s3, s10;
	[sflag:s0] =	ssyncset.done @!p1 $0x0  }
0x24b: {  	s9 =	sand.u32 @!p5 $0x7800, s10;
	s12 =	simm.s32 @!p5 $0x0;
	[sflag:s0] =	ssyncadd.s32 @!p1 $0xFFFFF800  }
0x24c: {  	s0 =	sadd.s32 $0x800, s10;
	p1 =	sgt.s32 s1, $0x7FF;
	s1 =	sshrl.u32 @!p5 s7, $0x3  }
0x24d: {  	s7 =	sor.u32 @!p5 $0x8200, s9;
	s9 =	sadd.s32 @!p5 s2, s1;
	s1 =	simm.s32 @!p5 $0x3  }
0x24e: {  	[hbm4b:s9+s12] =	stream.linear.scatter @!p5 [tilespmem:s7], [sflag:$0x3], $0x800, $0x38;
	[tilespmem:$0x10780] =	vst v63  }
0x24f: {  	s10 =	smov.u32 @p1 s0;
	_ =	swait.ge @!p5 [sflag:s1], $0x800  }
0x250: {  	s0 =	simm.s32 $0xF;
	s7 =	ssub.s32 s6, s10;
	[sflag:s1] =	ssyncset.done @!p5 $0x0  }
.LBB2_31:
0x251: {  	s9 =	sadd.s32 $0x800, s10;
	[sflag:s1] =	ssyncadd.s32 @!p5 $0xFFFFF800;
	p5 =	slt.s32 s7, $0x800  }
0x252: {  	p1 =	sgt.s32 s7, $0x7FF;
	s0 =	sadd.s32 $0xFFFFFFFF, s0;
	s1 =	sadd.s32 @!p5 s3, s10  }
0x253: {  	s12 =	sand.u32 @!p5 $0x7800, s10;
	s10 =	smov.u32 @p1 s9;
	p1 =	sne.s32 s0, $0x0  }
.Ltmp27:
0x254: {  	s1 =	sshrl.u32 @!p5 s1, $0x3;
	s7 =	sor.u32 @!p5 $0x8200, s12;
	(pc) =	sbr.rel @p1 .LBB2_31-.Ltmp27, $4  }
0x255: {  	s13 =	simm.s32 @!p5 $0x0;
	s12 =	sadd.s32 @!p5 s2, s1;
	s1 =	simm.s32 @!p5 $0x3  }
0x256: {  	[hbm4b:s12+s13] =	stream.linear.scatter @!p5 [tilespmem:s7], [sflag:$0x3], $0x800, $0x38;
	[tilespmem:$0x10780] =	vst v63  }
0x257: {  	_ =	swait.ge @!p5 [sflag:s1], $0x800  }
0x258: {  	s7 =	ssub.s32 s6, s10;
	[sflag:s1] =	ssyncset.done @!p5 $0x0  }
0x259: {  	p6 =	slt.s32 s7, $0x800;
	s0 =	sadd.s32 $0x800, s10  }
0x25a: {  	[sflag:s1] =	ssyncadd.s32 @!p5 $0xFFFFF800;
	p1 =	sgt.s32 s7, $0x7FF;
	s1 =	sadd.s32 @!p6 s3, s10  }
0x25b: {  	s9 =	sand.u32 @!p6 $0x7800, s10;
	s10 =	smov.u32 @p1 s0;
	s0 =	simm.s32 @!p6 $0x3  }
0x25c: {  	s1 =	sshrl.u32 @!p6 s1, $0x3;
	s7 =	sor.u32 @!p6 $0x8200, s9;
	s15 =	ssub.s32 s6, s10  }
0x25d: {  	s9 =	simm.s32 @!p6 $0x0;
	s1 =	sadd.s32 @!p6 s2, s1;
	s6 =	sand.u32 $0x400, s15  }
0x25e: {  	[hbm4b:s1+s9] =	stream.linear.scatter @!p6 [tilespmem:s7], [sflag:$0x3], $0x800, $0x38;
	[tilespmem:$0x10780] =	vst v63  }
0x25f: {  	p5 =	seq.s32 s6, $0x0;
	_ =	swait.ge @!p6 [sflag:s0], $0x800  }
0x260: {  	s7 =	sadd.s32 @!p5 s3, s10;
	[sflag:s0] =	ssyncset.done @!p6 $0x0  }
0x261: {  	s7 =	sshrl.u32 @!p5 s7, $0x3;
	[sflag:s0] =	ssyncadd.s32 @!p6 $0xFFFFF800;
	s0 =	sand.u32 @!p5 $0x7FF0, s10  }
0x262: {  	s9 =	simm.s32 @!p5 $0x0;
	s7 =	sadd.s32 @!p5 s2, s7;
	s0 =	sadd.s32 @!p5 $0x8200, s0  }
0x263: {  	[hbm4b:s7+s9] =	stream.linear.scatter @!p5 [tilespmem:s0], [sflag:$0x3], $0x400, $0x38;
	[tilespmem:$0x10780] =	vst v63  }
0x264: {  	s16 =	sand.u32 $0x200, s15;
	s0 =	simm.s32 @!p5 $0x3  }
0x265: {  	s6 =	sadd.s32 s10, s6;
	p6 =	seq.s32 s16, $0x0;
	_ =	swait.ge @!p5 [sflag:s0], $0x400  }
0x266: {  	s9 =	sadd.s32 @!p6 s3, s6;
	[sflag:s0] =	ssyncset.done @!p5 $0x0  }
0x267: {  	s9 =	sshrl.u32 @!p6 s9, $0x3;
	[sflag:s0] =	ssyncadd.s32 @!p5 $0xFFFFFC00;
	s0 =	sand.u32 @!p6 $0x7FF0, s6  }
0x268: {  	s10 =	simm.s32 @!p6 $0x0;
	s9 =	sadd.s32 @!p6 s2, s9;
	s0 =	sadd.s32 @!p6 $0x8200, s0  }
0x269: {  	[hbm4b:s9+s10] =	stream.linear.scatter @!p6 [tilespmem:s0], [sflag:$0x3], $0x200, $0x38;
	[tilespmem:$0x10780] =	vst v63  }
0x26a: {  	s17 =	sand.u32 $0x100, s15;
	s0 =	simm.s32 @!p6 $0x3  }
0x26b: {  	s6 =	sadd.s32 s16, s6;
	p5 =	seq.s32 s17, $0x0;
	_ =	swait.ge @!p6 [sflag:s0], $0x200  }
0x26c: {  	s7 =	sadd.s32 @!p5 s3, s6;
	[sflag:s0] =	ssyncset.done @!p6 $0x0  }
0x26d: {  	s7 =	sshrl.u32 @!p5 s7, $0x3;
	[sflag:s0] =	ssyncadd.s32 @!p6 $0xFFFFFE00;
	s0 =	sand.u32 @!p5 $0x7FF0, s6  }
0x26e: {  	s10 =	simm.s32 @!p5 $0x0;
	s7 =	sadd.s32 @!p5 s2, s7;
	s0 =	sadd.s32 @!p5 $0x8200, s0  }
0x26f: {  	[hbm4b:s7+s10] =	stream.linear.scatter @!p5 [tilespmem:s0], [sflag:$0x3], $0x100, $0x38;
	[tilespmem:$0x10780] =	vst v63  }
0x270: {  	s18 =	sand.u32 $0x80, s15;
	s0 =	simm.s32 @!p5 $0x3  }
0x271: {  	s6 =	sadd.s32 s17, s6;
	p6 =	seq.s32 s18, $0x0;
	_ =	swait.ge @!p5 [sflag:s0], $0x100  }
0x272: {  	s9 =	sadd.s32 @!p6 s3, s6;
	[sflag:s0] =	ssyncset.done @!p5 $0x0  }
0x273: {  	s9 =	sshrl.u32 @!p6 s9, $0x3;
	[sflag:s0] =	ssyncadd.s32 @!p5 $0xFFFFFF00;
	s0 =	sand.u32 @!p6 $0x7FF0, s6  }
0x274: {  	s10 =	simm.s32 @!p6 $0x0;
	s9 =	sadd.s32 @!p6 s2, s9;
	s0 =	sadd.s32 @!p6 $0x8200, s0  }
0x275: {  	[hbm4b:s9+s10] =	stream.linear.scatter @!p6 [tilespmem:s0], [sflag:$0x3], $0x80, $0x38;
	[tilespmem:$0x10780] =	vst v63  }
0x276: {  	s19 =	sand.u32 $0x40, s15;
	s0 =	simm.s32 @!p6 $0x3  }
0x277: {  	s6 =	sadd.s32 s18, s6;
	p5 =	seq.s32 s19, $0x0;
	_ =	swait.ge @!p6 [sflag:s0], $0x80  }
0x278: {  	s7 =	sadd.s32 @!p5 s3, s6;
	[sflag:s0] =	ssyncset.done @!p6 $0x0  }
0x279: {  	s7 =	sshrl.u32 @!p5 s7, $0x3;
	[sflag:s0] =	ssyncadd.s32 @!p6 $0xFFFFFF80;
	s0 =	sand.u32 @!p5 $0x7FF0, s6  }
0x27a: {  	s10 =	simm.s32 @!p5 $0x0;
	s7 =	sadd.s32 @!p5 s2, s7;
	s0 =	sadd.s32 @!p5 $0x8200, s0  }
0x27b: {  	[hbm4b:s7+s10] =	stream.linear.scatter @!p5 [tilespmem:s0], [sflag:$0x3], $0x40, $0x38;
	[tilespmem:$0x10780] =	vst v63  }
0x27c: {  	s0 =	simm.s32 @!p5 $0x3  }
0x27d: {  	s20 =	sand.u32 $0x10, s15;
	s7 =	sand.u32 $0x20, s15;
	_ =	swait.ge @!p5 [sflag:s0], $0x40  }
0x27e: {  	s6 =	sadd.s32 s19, s6;
	p6 =	seq.s32 s7, $0x0;
	[sflag:s0] =	ssyncset.done @!p5 $0x0  }
0x27f: {  	s9 =	sadd.s32 @!p6 s3, s6;
	s10 =	simm.s32 @!p6 $0x0;
	s1 =	simm.s32 @!p6 $0x3  }
0x280: {  	[sflag:s0] =	ssyncadd.s32 @!p5 $0xFFFFFFC0;
	s0 =	sand.u32 @!p6 $0x7FFF, s6;
	s9 =	sshrl.u32 @!p6 s9, $0x3  }
0x281: {  	p5 =	seq.s32 s20, $0x0;
	s9 =	sadd.s32 @!p6 s2, s9;
	s0 =	sadd.s32 @!p6 $0x8200, s0  }
0x282: {  	[hbm4b:s9+s10] =	stream.linear.scatter @!p6 [tilespmem:s0], [sflag:$0x3], $0x20, $0x38;
	[tilespmem:$0x10780] =	vst v63  }
0x283: {  	s0 =	sadd.s32 @!p5 s7, s6;
	_ =	swait.ge @!p6 [sflag:s1], $0x20  }
0x284: {  	s3 =	sadd.s32 @!p5 s3, s0;
	[sflag:s1] =	ssyncset.done @!p6 $0x0  }
0x285: {  	s0 =	sand.u32 @!p5 $0x7FFF, s0;
	[sflag:s1] =	ssyncadd.s32 @!p6 $0xFFFFFFE0;
	s1 =	sshrl.u32 @!p5 s3, $0x3  }
0x286: {  	s0 =	sadd.s32 @!p5 $0x8200, s0;
	s3 =	simm.s32 @!p5 $0x0;
	s1 =	sadd.s32 @!p5 s2, s1  }
0x287: {  	[hbm4b:s1+s3] =	stream.linear.scatter @!p5 [tilespmem:s0], [sflag:$0x3], $0x10, $0x38;
	[tilespmem:$0x10780] =	vst v63  }
0x288: {  	s0 =	simm.s32 @!p5 $0x3  }
0x289: {  	_ =	swait.ge @!p5 [sflag:s0], $0x10  }
0x28a: {  	s21 =	rddreg [dreg:$0x10]  }
0x28b: {  	s24 =	rddreg [dreg:$0x8];
	s7 =	sadd.s32 $0x1, s21  }
0x28c: {  	p1 =	sne.s32 s7, s24  }
.Ltmp28:
0x28d: {  	_ = 	snop;
	(pc) =	sbr.rel @p1 .LBB2_1-.Ltmp28, $3  }
0x28e: {  	_ =	sdelay $0x1  }
0x28f: {  	[sflag:s0] =	ssyncset.done @!p5 $0x0  }
0x290: {  	s17 =	simm.s32 $0x3;
	s18 =	simm.s32 $0x10700;
	[sflag:s0] =	ssyncadd.s32 @!p5 $0xFFFFFFF0  }
0x291: {  	_ =	sfence.sel $0x180000  }
0x292: {  	[bflag:$0x0] =	sbarrier.arrive $0xFFFF  }
0x293: {  	_ =	strace $0x90000047  }
0x294: {  	s0 =	stileid.u32;
	[bflag:$0x2] =	sbarrier.arrive $0xFFFF  }
0x295: {  	p0 =	sne.s32 s0, $0x0;
	s0 =	rddreg [dreg:$0x2]  }
0x296: {  	s0 =	sadd.s32 @!p0 $0x100000, s0  }
0x297: {  	[sflag:s0] =	ssyncadd.tile.s32 @!p0 $0x1;
	_ =	shalt  }
.Lfunc_end2:
_tile_overlayer_lowered:
.L_overlay_start_2:
0x298: {  	(tag) =	ssettag $0x2  }
0x299: {  	s0 =	rddreg [dreg:$0x0];
	s2 =	stileid.u32  }
0x29a: {  	s1 =	rddreg [dreg:$0x1];
	p0 =	sne.s32 s2, $0x0  }
0x29b: {  	s3 =	rddreg [dreg:$0x2];
	[bflag:$0x3] =	sbarrier.arrive $0xFFFF;
	s2 =	simm.s32 @!p0 $0x1C03  }
0x29c: {  	[timem:s3], [sflag:s2] =	dma.local @!p0 [hbm:s0], s1  }
0x29d: {  	s0 =	simm.s32 @!p0 $0x3  }
0x29e: {  	_ =	swait.ge @!p0 [sflag:s0], s1  }
0x29f: {  	s1 =	ssub.s32 @!p0 $0x0, s1;
	[sflag:s0] =	ssyncset.done @!p0 $0x0  }
0x2a0: {  	[sflag:s0] =	ssyncadd.s32 @!p0 s1  }
0x2a1: {  	[bflag:$0x3] =	sbarrier.arrive $0xFFFF  }
0x2a2: {  	_ =	shalt  }

</sc_bundles>
